<compile_context>
chip_gen: v7x
topology: tpu7x:2x2x1
jax: 0.10.2.dev20260603
libtpu: 0.0.44.dev20260713+nightly
codegen_flags: <defaults>
</compile_context>

<pallas_src>
import jax
import jax.numpy as jnp
from jax import lax
from jax.experimental import pallas as pl
from jax.experimental.pallas import tpu as pltpu
from jax.experimental.pallas import tpu_sc as plsc

N = 10000
K = 2500
D = 128

CHUNK = 128
NFULL = N // CHUNK
TAIL = N - NFULL * CHUNK
NSUB = 16
STEPS = 5
ACC_ROWS = 2560
TRASH = ACC_ROWS - 1
ZROWS = ACC_ROWS // NSUB
OTAIL = K - 15 * ZROWS
ZBUF_ROWS = 16


def _body(x_hbm, idx_hbm, out_hbm, idx2, xbuf, zbuf, acc, sem_i, sem_x,
          sem_s, sem_z):
    s = lax.axis_index("s")

    for t in range(STEPS):
        j = s + NSUB * t

        @pl.when(j < NFULL)
        def _():
            pltpu.async_copy(idx_hbm.at[pl.ds(j * CHUNK, CHUNK)],
                             idx2.at[t], sem_i.at[t])
            pltpu.async_copy(x_hbm.at[pl.ds(j * CHUNK, CHUNK)],
                             xbuf.at[t], sem_x.at[t])

        @pl.when(j == NFULL + 1)
        def _():
            pltpu.async_copy(idx_hbm.at[pl.ds(NFULL * CHUNK, TAIL)],
                             idx2.at[STEPS - 1, pl.ds(0, TAIL)],
                             sem_i.at[STEPS - 1])
            pltpu.async_copy(x_hbm.at[pl.ds(NFULL * CHUNK, TAIL)],
                             xbuf.at[STEPS - 1, pl.ds(0, TAIL)],
                             sem_x.at[STEPS - 1])

    def _zrow(i, carry):
        for g in range(D // 16):
            zbuf[i, pl.ds(16 * g, 16)] = jnp.zeros((16,), jnp.float32)
        return carry

    lax.fori_loop(0, ZBUF_ROWS, _zrow, 0)
    for r in range(ZROWS // ZBUF_ROWS):
        pltpu.async_copy(
            zbuf, acc.at[pl.ds(s * ZROWS + r * ZBUF_ROWS, ZBUF_ROWS)], sem_z)
    for r in range(ZROWS // ZBUF_ROWS):
        pltpu.make_async_copy(
            zbuf, acc.at[pl.ds(s * ZROWS + r * ZBUF_ROWS, ZBUF_ROWS)],
            sem_z).wait()
    plsc.subcore_barrier()

    for t in range(STEPS):
        j = s + NSUB * t

        @pl.when(j < NFULL)
        def _():
            pltpu.make_async_copy(idx_hbm.at[pl.ds(j * CHUNK, CHUNK)],
                                  idx2.at[t], sem_i.at[t]).wait()
            pltpu.make_async_copy(x_hbm.at[pl.ds(j * CHUNK, CHUNK)],
                                  xbuf.at[t], sem_x.at[t]).wait()
            pltpu.async_copy(xbuf.at[t], acc.at[idx2.at[t]],
                             sem_s.at[t], add=True)

        @pl.when(j == NFULL + 1)
        def _():
            pltpu.make_async_copy(idx_hbm.at[pl.ds(NFULL * CHUNK, TAIL)],
                                  idx2.at[STEPS - 1, pl.ds(0, TAIL)],
                                  sem_i.at[STEPS - 1]).wait()
            pltpu.make_async_copy(x_hbm.at[pl.ds(NFULL * CHUNK, TAIL)],
                                  xbuf.at[STEPS - 1, pl.ds(0, TAIL)],
                                  sem_x.at[STEPS - 1]).wait()
            for q in range(TAIL // 16, CHUNK // 16):
                idx2[STEPS - 1, pl.ds(16 * q, 16)] = jnp.full(
                    (16,), TRASH, jnp.int32)
            pltpu.async_copy(xbuf.at[STEPS - 1], acc.at[idx2.at[STEPS - 1]],
                             sem_s.at[STEPS - 1], add=True)

    for t in range(STEPS):
        j = s + NSUB * t

        @pl.when((j < NFULL) | (j == NFULL + 1))
        def _():
            pltpu.make_async_copy(xbuf.at[t], acc.at[idx2.at[t]],
                                  sem_s.at[t]).wait()

    plsc.subcore_barrier()

    @pl.when(s < 15)
    def _():
        pltpu.sync_copy(acc.at[pl.ds(s * ZROWS, ZROWS)],
                        out_hbm.at[pl.ds(s * ZROWS, ZROWS)])

    @pl.when(s == 15)
    def _():
        pltpu.sync_copy(acc.at[pl.ds(15 * ZROWS, OTAIL)],
                        out_hbm.at[pl.ds(15 * ZROWS, OTAIL)])


@jax.jit
def _segment_sum_sc(x, index):
    mesh = plsc.VectorSubcoreMesh(core_axis_name="c", subcore_axis_name="s",
                                  num_cores=1)
    f = pl.kernel(
        _body,
        out_type=jax.ShapeDtypeStruct((K, D), jnp.float32),
        mesh=mesh,
        scratch_types=[
            pltpu.VMEM((STEPS, CHUNK), jnp.int32),
            pltpu.VMEM((STEPS, CHUNK, D), jnp.float32),
            pltpu.VMEM((ZBUF_ROWS, D), jnp.float32),
            pltpu.VMEM_SHARED((ACC_ROWS, D), jnp.float32),
            pltpu.SemaphoreType.DMA((STEPS,)),
            pltpu.SemaphoreType.DMA((STEPS,)),
            pltpu.SemaphoreType.DMA((STEPS,)),
            pltpu.SemaphoreType.DMA,
        ],
    )
    return f(x, index)


def kernel(x, adj, index, W, b):
    del adj, W, b
    return _segment_sum_sc(x, index)

# --- scband reference (transcript-rebuilt; emitter-appended) ---
"""Pipeline reference for scband-diff-pool-85229331022491 (READ-ONLY COPY).

The authoritative reference and input builder live on the scoring server;
editing this copy changes nothing except your own understanding.
"""

import jax, jax.numpy as jnp
import numpy as np

N = 10000
E = 320000
D = 128
K = 2500


def setup_inputs(seed: int = 0) -> dict:
    key = jax.random.key(seed)
    kx, ka, ki, kw, kb = jax.random.split(key, 5)
    x = jax.random.normal(kx, (N, D), dtype=jnp.float32)
    adj = jax.random.randint(ka, (2, E), 0, N, dtype=jnp.int32)
    index = jax.random.randint(ki, (N,), 0, K, dtype=jnp.int32)
    W = jax.random.normal(kw, (D, K), dtype=jnp.float32) * (1.0 / np.sqrt(D))
    b = jnp.zeros((K,), dtype=jnp.float32)
    return {"x": x, "adj": adj, "index": index, "W": W, "b": b}


def _gcn_conv(x, adj, W, b):
    # PyG GCNConv with SparseTensor(row=adj[1], col=adj[0]):
    # messages flow src=adj[0] -> dst=adj[1], symmetric normalization with self-loops.
    src = adj[0]
    dst = adj[1]
    n = x.shape[0]
    loop = jnp.arange(n, dtype=adj.dtype)
    src = jnp.concatenate([src, loop])
    dst = jnp.concatenate([dst, loop])
    deg = jnp.zeros((n,), x.dtype).at[dst].add(1.0)
    dinv = jnp.where(deg > 0, jax.lax.rsqrt(deg), 0.0)
    norm = dinv[src] * dinv[dst]
    msg = x[src] * norm[:, None]
    agg = jnp.zeros_like(x).at[dst].add(msg)
    # (A_hat X) W == A_hat (X W): identical math, smaller gathered message width.
    return agg @ W + b


def reference(x, adj, index, W, b):
    s = _gcn_conv(x, adj, W, b)
    one_hot = jax.nn.one_hot(index, K, dtype=x.dtype)
    s = s * one_hot
    s = jnp.where(s != 0, s, jnp.full_like(s, -90000000000.0))
    s = jax.nn.softmax(s, axis=-1)
    return s.T @ x

if __name__ == "__main__":
    import jax
    _d = setup_inputs()
    print(jax.jit(kernel)(*tuple(_d.values())))

</pallas_src>

<mosaic_0001>
#map = affine_map<(d0, d1) -> (0, 0)>
#map1 = affine_map<(d0, d1) -> (0)>
module attributes {stable_mosaic.version = 14 : i64} {
  func.func @_body(%arg0: i32, %arg1: i32, %arg2: memref<10000x128xf32, #tpu.memory_space<hbm>>, %arg3: memref<10000xi32, #tpu.memory_space<hbm>>, %arg4: memref<2500x128xf32, #tpu.memory_space<hbm>>, %arg5: memref<5x128xi32, #tpu.memory_space<vmem>>, %arg6: memref<5x128x128xf32, #tpu.memory_space<vmem>>, %arg7: memref<16x128xf32, #tpu.memory_space<vmem>>, %arg8: memref<2560x128xf32, #tpu.memory_space<vmem_shared>>, %arg9: memref<5x!tpu.dma_semaphore, #tpu.memory_space<semaphore_mem>>, %arg10: memref<5x!tpu.dma_semaphore, #tpu.memory_space<semaphore_mem>>, %arg11: memref<5x!tpu.dma_semaphore, #tpu.memory_space<semaphore_mem>>, %arg12: memref<!tpu.dma_semaphore, #tpu.memory_space<semaphore_mem>>) attributes {dimension_semantics = [#tpu.dimension_semantics<core_parallel>, #tpu.dimension_semantics<subcore_parallel>], iteration_bounds = array<i64: 1, 16>, scalar_prefetch = 0 : i64, scratch_operands = 8 : i64, tpu.core_type = #tpu.core_type<sc_vector_subcore>, window_params = [{transform_indices = #map}, {transform_indices = #map1}, {transform_indices = #map}]} {
    %add3A = arith.constant 0 : i32
    %add3A_0 = arith.addi %arg1, %add3A : i32
    %lt3A = arith.constant 78 : i32
    %lt3A_1 = arith.cmpi slt, %add3A_0, %lt3A : i32
    %convert_element_type3A = arith.extui %lt3A_1 : i1 to i32
    %cond3A = arith.constant 0 : i32
    %cond3A_2 = arith.cmpi ne, %convert_element_type3A, %cond3A : i32
    scf.if %cond3A_2 {
      %mul3A_337 = arith.constant 128 : i32
      %mul3A_338 = arith.muli %add3A_0, %mul3A_337 : i32
      %dma_start3A_339 = arith.constant 0 : i32
      %dma_start3A_340 = arith.constant 0 : i32
      %dma_start3A_341 = arith.constant 0 : i32
      %dma_start3A_342 = tpu.memref_slice %arg5[%dma_start3A_339, %dma_start3A_341] : memref<5x128xi32, #tpu.memory_space<vmem>> -> memref<1x128xi32, #tpu.memory_space<vmem>>
      %dma_start3A_343 = tpu.memref_squeeze %dma_start3A_342 : memref<1x128xi32, #tpu.memory_space<vmem>> -> memref<128xi32, #tpu.memory_space<vmem>>
      %dma_start3A_344 = tpu.memref_slice %arg3[%mul3A_338] : memref<10000xi32, #tpu.memory_space<hbm>> -> memref<128xi32, #tpu.memory_space<hbm>>
      %dma_start3A_345 = tpu.memref_slice %arg9[%dma_start3A_340] : memref<5x!tpu.dma_semaphore, #tpu.memory_space<semaphore_mem>> -> memref<1x!tpu.dma_semaphore, #tpu.memory_space<semaphore_mem>>
      %dma_start3A_346 = tpu.memref_squeeze %dma_start3A_345 : memref<1x!tpu.dma_semaphore, #tpu.memory_space<semaphore_mem>> -> memref<!tpu.dma_semaphore, #tpu.memory_space<semaphore_mem>>
      %dma_start3A_347 = arith.constant 0 : i32
      %dma_start3A_348 = tpu.memref_slice %arg5[%dma_start3A_339, %dma_start3A_347] : memref<5x128xi32, #tpu.memory_space<vmem>> -> memref<1x128xi32, #tpu.memory_space<vmem>>
      %dma_start3A_349 = tpu.memref_squeeze %dma_start3A_348 : memref<1x128xi32, #tpu.memory_space<vmem>> -> memref<128xi32, #tpu.memory_space<vmem>>
      %dma_start3A_350 = tpu.memref_slice %arg3[%mul3A_338] : memref<10000xi32, #tpu.memory_space<hbm>> -> memref<128xi32, #tpu.memory_space<hbm>>
      tpu.enqueue_dma source(%dma_start3A_350 : memref<128xi32, #tpu.memory_space<hbm>>) target(%dma_start3A_349 : memref<128xi32, #tpu.memory_space<vmem>>) target_semaphore(%dma_start3A_346 : memref<!tpu.dma_semaphore, #tpu.memory_space<semaphore_mem>>)
      %mul3A_351 = arith.constant 128 : i32
      %mul3A_352 = arith.muli %add3A_0, %mul3A_351 : i32
      %dma_start3A_353 = arith.constant 0 : i32
      %dma_start3A_354 = arith.constant 0 : i32
      %dma_start3A_355 = arith.constant 0 : i32
      %dma_start3A_356 = arith.constant 0 : i32
      %dma_start3A_357 = tpu.memref_slice %arg6[%dma_start3A_353, %dma_start3A_355, %dma_start3A_356] : memref<5x128x128xf32, #tpu.memory_space<vmem>> -> memref<1x128x128xf32, #tpu.memory_space<vmem>>
      %dma_start3A_358 = tpu.memref_squeeze %dma_start3A_357 : memref<1x128x128xf32, #tpu.memory_space<vmem>> -> memref<128x128xf32, #tpu.memory_space<vmem>>
      %dma_start3A_359 = arith.constant 0 : i32
      %dma_start3A_360 = tpu.memref_slice %arg2[%mul3A_352, %dma_start3A_359] : memref<10000x128xf32, #tpu.memory_space<hbm>> -> memref<128x128xf32, #tpu.memory_space<hbm>>
      %dma_start3A_361 = tpu.memref_slice %arg10[%dma_start3A_354] : memref<5x!tpu.dma_semaphore, #tpu.memory_space<semaphore_mem>> -> memref<1x!tpu.dma_semaphore, #tpu.memory_space<semaphore_mem>>
      %dma_start3A_362 = tpu.memref_squeeze %dma_start3A_361 : memref<1x!tpu.dma_semaphore, #tpu.memory_space<semaphore_mem>> -> memref<!tpu.dma_semaphore, #tpu.memory_space<semaphore_mem>>
      %dma_start3A_363 = arith.constant 0 : i32
      %dma_start3A_364 = arith.constant 0 : i32
      %dma_start3A_365 = tpu.memref_slice %arg6[%dma_start3A_353, %dma_start3A_363, %dma_start3A_364] : memref<5x128x128xf32, #tpu.memory_space<vmem>> -> memref<1x128x128xf32, #tpu.memory_space<vmem>>
      %dma_start3A_366 = tpu.memref_squeeze %dma_start3A_365 : memref<1x128x128xf32, #tpu.memory_space<vmem>> -> memref<128x128xf32, #tpu.memory_space<vmem>>
      %dma_start3A_367 = arith.constant 0 : i32
      %dma_start3A_368 = tpu.memref_slice %arg2[%mul3A_352, %dma_start3A_367] : memref<10000x128xf32, #tpu.memory_space<hbm>> -> memref<128x128xf32, #tpu.memory_space<hbm>>
      tpu.enqueue_dma source(%dma_start3A_368 : memref<128x128xf32, #tpu.memory_space<hbm>>) target(%dma_start3A_366 : memref<128x128xf32, #tpu.memory_space<vmem>>) target_semaphore(%dma_start3A_362 : memref<!tpu.dma_semaphore, #tpu.memory_space<semaphore_mem>>)
    } else {
    }
    %eq3A = arith.constant 79 : i32
    %eq3A_3 = arith.cmpi eq, %add3A_0, %eq3A : i32
    %convert_element_type3A_4 = arith.extui %eq3A_3 : i1 to i32
    %cond3A_5 = arith.constant 0 : i32
    %cond3A_6 = arith.cmpi ne, %convert_element_type3A_4, %cond3A_5 : i32
    scf.if %cond3A_6 {
      %dma_start3A_337 = arith.constant 4 : i32
      %dma_start3A_338 = arith.constant 4 : i32
      %dma_start3A_339 = arith.constant 0 : i32
      %dma_start3A_340 = tpu.memref_slice %arg5[%dma_start3A_337, %dma_start3A_339] : memref<5x128xi32, #tpu.memory_space<vmem>> -> memref<1x16xi32, #tpu.memory_space<vmem>>
      %dma_start3A_341 = tpu.memref_squeeze %dma_start3A_340 : memref<1x16xi32, #tpu.memory_space<vmem>> -> memref<16xi32, #tpu.memory_space<vmem>>
      %dma_start3A_342 = arith.constant 9984 : i32
      %dma_start3A_343 = tpu.memref_slice %arg3[%dma_start3A_342] : memref<10000xi32, #tpu.memory_space<hbm>> -> memref<16xi32, #tpu.memory_space<hbm>>
      %dma_start3A_344 = tpu.memref_slice %arg9[%dma_start3A_338] : memref<5x!tpu.dma_semaphore, #tpu.memory_space<semaphore_mem>> -> memref<1x!tpu.dma_semaphore, #tpu.memory_space<semaphore_mem>>
      %dma_start3A_345 = tpu.memref_squeeze %dma_start3A_344 : memref<1x!tpu.dma_semaphore, #tpu.memory_space<semaphore_mem>> -> memref<!tpu.dma_semaphore, #tpu.memory_space<semaphore_mem>>
      %dma_start3A_346 = arith.constant 0 : i32
      %dma_start3A_347 = tpu.memref_slice %arg5[%dma_start3A_337, %dma_start3A_346] : memref<5x128xi32, #tpu.memory_space<vmem>> -> memref<1x16xi32, #tpu.memory_space<vmem>>
      %dma_start3A_348 = tpu.memref_squeeze %dma_start3A_347 : memref<1x16xi32, #tpu.memory_space<vmem>> -> memref<16xi32, #tpu.memory_space<vmem>>
      %dma_start3A_349 = arith.constant 9984 : i32
      %dma_start3A_350 = tpu.memref_slice %arg3[%dma_start3A_349] : memref<10000xi32, #tpu.memory_space<hbm>> -> memref<16xi32, #tpu.memory_space<hbm>>
      tpu.enqueue_dma source(%dma_start3A_350 : memref<16xi32, #tpu.memory_space<hbm>>) target(%dma_start3A_348 : memref<16xi32, #tpu.memory_space<vmem>>) target_semaphore(%dma_start3A_345 : memref<!tpu.dma_semaphore, #tpu.memory_space<semaphore_mem>>)
      %dma_start3A_351 = arith.constant 4 : i32
      %dma_start3A_352 = arith.constant 4 : i32
      %dma_start3A_353 = arith.constant 0 : i32
      %dma_start3A_354 = arith.constant 0 : i32
      %dma_start3A_355 = tpu.memref_slice %arg6[%dma_start3A_351, %dma_start3A_353, %dma_start3A_354] : memref<5x128x128xf32, #tpu.memory_space<vmem>> -> memref<1x16x128xf32, #tpu.memory_space<vmem>>
      %dma_start3A_356 = tpu.memref_squeeze %dma_start3A_355 : memref<1x16x128xf32, #tpu.memory_space<vmem>> -> memref<16x128xf32, #tpu.memory_space<vmem>>
      %dma_start3A_357 = arith.constant 9984 : i32
      %dma_start3A_358 = arith.constant 0 : i32
      %dma_start3A_359 = tpu.memref_slice %arg2[%dma_start3A_357, %dma_start3A_358] : memref<10000x128xf32, #tpu.memory_space<hbm>> -> memref<16x128xf32, #tpu.memory_space<hbm>>
      %dma_start3A_360 = tpu.memref_slice %arg10[%dma_start3A_352] : memref<5x!tpu.dma_semaphore, #tpu.memory_space<semaphore_mem>> -> memref<1x!tpu.dma_semaphore, #tpu.memory_space<semaphore_mem>>
      %dma_start3A_361 = tpu.memref_squeeze %dma_start3A_360 : memref<1x!tpu.dma_semaphore, #tpu.memory_space<semaphore_mem>> -> memref<!tpu.dma_semaphore, #tpu.memory_space<semaphore_mem>>
      %dma_start3A_362 = arith.constant 0 : i32
      %dma_start3A_363 = arith.constant 0 : i32
      %dma_start3A_364 = tpu.memref_slice %arg6[%dma_start3A_351, %dma_start3A_362, %dma_start3A_363] : memref<5x128x128xf32, #tpu.memory_space<vmem>> -> memref<1x16x128xf32, #tpu.memory_space<vmem>>
      %dma_start3A_365 = tpu.memref_squeeze %dma_start3A_364 : memref<1x16x128xf32, #tpu.memory_space<vmem>> -> memref<16x128xf32, #tpu.memory_space<vmem>>
      %dma_start3A_366 = arith.constant 9984 : i32
      %dma_start3A_367 = arith.constant 0 : i32
      %dma_start3A_368 = tpu.memref_slice %arg2[%dma_start3A_366, %dma_start3A_367] : memref<10000x128xf32, #tpu.memory_space<hbm>> -> memref<16x128xf32, #tpu.memory_space<hbm>>
      tpu.enqueue_dma source(%dma_start3A_368 : memref<16x128xf32, #tpu.memory_space<hbm>>) target(%dma_start3A_365 : memref<16x128xf32, #tpu.memory_space<vmem>>) target_semaphore(%dma_start3A_361 : memref<!tpu.dma_semaphore, #tpu.memory_space<semaphore_mem>>)
    } else {
    }
    %add3A_7 = arith.constant 16 : i32
    %add3A_8 = arith.addi %arg1, %add3A_7 : i32
    %lt3A_9 = arith.constant 78 : i32
    %lt3A_10 = arith.cmpi slt, %add3A_8, %lt3A_9 : i32
    %convert_element_type3A_11 = arith.extui %lt3A_10 : i1 to i32
    %cond3A_12 = arith.constant 0 : i32
    %cond3A_13 = arith.cmpi ne, %convert_element_type3A_11, %cond3A_12 : i32
    scf.if %cond3A_13 {
      %mul3A_337 = arith.constant 128 : i32
      %mul3A_338 = arith.muli %add3A_8, %mul3A_337 : i32
      %dma_start3A_339 = arith.constant 1 : i32
      %dma_start3A_340 = arith.constant 1 : i32
      %dma_start3A_341 = arith.constant 0 : i32
      %dma_start3A_342 = tpu.memref_slice %arg5[%dma_start3A_339, %dma_start3A_341] : memref<5x128xi32, #tpu.memory_space<vmem>> -> memref<1x128xi32, #tpu.memory_space<vmem>>
      %dma_start3A_343 = tpu.memref_squeeze %dma_start3A_342 : memref<1x128xi32, #tpu.memory_space<vmem>> -> memref<128xi32, #tpu.memory_space<vmem>>
      %dma_start3A_344 = tpu.memref_slice %arg3[%mul3A_338] : memref<10000xi32, #tpu.memory_space<hbm>> -> memref<128xi32, #tpu.memory_space<hbm>>
      %dma_start3A_345 = tpu.memref_slice %arg9[%dma_start3A_340] : memref<5x!tpu.dma_semaphore, #tpu.memory_space<semaphore_mem>> -> memref<1x!tpu.dma_semaphore, #tpu.memory_space<semaphore_mem>>
      %dma_start3A_346 = tpu.memref_squeeze %dma_start3A_345 : memref<1x!tpu.dma_semaphore, #tpu.memory_space<semaphore_mem>> -> memref<!tpu.dma_semaphore, #tpu.memory_space<semaphore_mem>>
      %dma_start3A_347 = arith.constant 0 : i32
      %dma_start3A_348 = tpu.memref_slice %arg5[%dma_start3A_339, %dma_start3A_347] : memref<5x128xi32, #tpu.memory_space<vmem>> -> memref<1x128xi32, #tpu.memory_space<vmem>>
      %dma_start3A_349 = tpu.memref_squeeze %dma_start3A_348 : memref<1x128xi32, #tpu.memory_space<vmem>> -> memref<128xi32, #tpu.memory_space<vmem>>
      %dma_start3A_350 = tpu.memref_slice %arg3[%mul3A_338] : memref<10000xi32, #tpu.memory_space<hbm>> -> memref<128xi32, #tpu.memory_space<hbm>>
      tpu.enqueue_dma source(%dma_start3A_350 : memref<128xi32, #tpu.memory_space<hbm>>) target(%dma_start3A_349 : memref<128xi32, #tpu.memory_space<vmem>>) target_semaphore(%dma_start3A_346 : memref<!tpu.dma_semaphore, #tpu.memory_space<semaphore_mem>>)
      %mul3A_351 = arith.constant 128 : i32
      %mul3A_352 = arith.muli %add3A_8, %mul3A_351 : i32
      %dma_start3A_353 = arith.constant 1 : i32
      %dma_start3A_354 = arith.constant 1 : i32
      %dma_start3A_355 = arith.constant 0 : i32
      %dma_start3A_356 = arith.constant 0 : i32
      %dma_start3A_357 = tpu.memref_slice %arg6[%dma_start3A_353, %dma_start3A_355, %dma_start3A_356] : memref<5x128x128xf32, #tpu.memory_space<vmem>> -> memref<1x128x128xf32, #tpu.memory_space<vmem>>
      %dma_start3A_358 = tpu.memref_squeeze %dma_start3A_357 : memref<1x128x128xf32, #tpu.memory_space<vmem>> -> memref<128x128xf32, #tpu.memory_space<vmem>>
      %dma_start3A_359 = arith.constant 0 : i32
      %dma_start3A_360 = tpu.memref_slice %arg2[%mul3A_352, %dma_start3A_359] : memref<10000x128xf32, #tpu.memory_space<hbm>> -> memref<128x128xf32, #tpu.memory_space<hbm>>
      %dma_start3A_361 = tpu.memref_slice %arg10[%dma_start3A_354] : memref<5x!tpu.dma_semaphore, #tpu.memory_space<semaphore_mem>> -> memref<1x!tpu.dma_semaphore, #tpu.memory_space<semaphore_mem>>
      %dma_start3A_362 = tpu.memref_squeeze %dma_start3A_361 : memref<1x!tpu.dma_semaphore, #tpu.memory_space<semaphore_mem>> -> memref<!tpu.dma_semaphore, #tpu.memory_space<semaphore_mem>>
      %dma_start3A_363 = arith.constant 0 : i32
      %dma_start3A_364 = arith.constant 0 : i32
      %dma_start3A_365 = tpu.memref_slice %arg6[%dma_start3A_353, %dma_start3A_363, %dma_start3A_364] : memref<5x128x128xf32, #tpu.memory_space<vmem>> -> memref<1x128x128xf32, #tpu.memory_space<vmem>>
      %dma_start3A_366 = tpu.memref_squeeze %dma_start3A_365 : memref<1x128x128xf32, #tpu.memory_space<vmem>> -> memref<128x128xf32, #tpu.memory_space<vmem>>
      %dma_start3A_367 = arith.constant 0 : i32
      %dma_start3A_368 = tpu.memref_slice %arg2[%mul3A_352, %dma_start3A_367] : memref<10000x128xf32, #tpu.memory_space<hbm>> -> memref<128x128xf32, #tpu.memory_space<hbm>>
      tpu.enqueue_dma source(%dma_start3A_368 : memref<128x128xf32, #tpu.memory_space<hbm>>) target(%dma_start3A_366 : memref<128x128xf32, #tpu.memory_space<vmem>>) target_semaphore(%dma_start3A_362 : memref<!tpu.dma_semaphore, #tpu.memory_space<semaphore_mem>>)
    } else {
    }
    %eq3A_14 = arith.constant 79 : i32
    %eq3A_15 = arith.cmpi eq, %add3A_8, %eq3A_14 : i32
    %convert_element_type3A_16 = arith.extui %eq3A_15 : i1 to i32
    %cond3A_17 = arith.constant 0 : i32
    %cond3A_18 = arith.cmpi ne, %convert_element_type3A_16, %cond3A_17 : i32
    scf.if %cond3A_18 {
      %dma_start3A_337 = arith.constant 4 : i32
      %dma_start3A_338 = arith.constant 4 : i32
      %dma_start3A_339 = arith.constant 0 : i32
      %dma_start3A_340 = tpu.memref_slice %arg5[%dma_start3A_337, %dma_start3A_339] : memref<5x128xi32, #tpu.memory_space<vmem>> -> memref<1x16xi32, #tpu.memory_space<vmem>>
      %dma_start3A_341 = tpu.memref_squeeze %dma_start3A_340 : memref<1x16xi32, #tpu.memory_space<vmem>> -> memref<16xi32, #tpu.memory_space<vmem>>
      %dma_start3A_342 = arith.constant 9984 : i32
      %dma_start3A_343 = tpu.memref_slice %arg3[%dma_start3A_342] : memref<10000xi32, #tpu.memory_space<hbm>> -> memref<16xi32, #tpu.memory_space<hbm>>
      %dma_start3A_344 = tpu.memref_slice %arg9[%dma_start3A_338] : memref<5x!tpu.dma_semaphore, #tpu.memory_space<semaphore_mem>> -> memref<1x!tpu.dma_semaphore, #tpu.memory_space<semaphore_mem>>
      %dma_start3A_345 = tpu.memref_squeeze %dma_start3A_344 : memref<1x!tpu.dma_semaphore, #tpu.memory_space<semaphore_mem>> -> memref<!tpu.dma_semaphore, #tpu.memory_space<semaphore_mem>>
      %dma_start3A_346 = arith.constant 0 : i32
      %dma_start3A_347 = tpu.memref_slice %arg5[%dma_start3A_337, %dma_start3A_346] : memref<5x128xi32, #tpu.memory_space<vmem>> -> memref<1x16xi32, #tpu.memory_space<vmem>>
      %dma_start3A_348 = tpu.memref_squeeze %dma_start3A_347 : memref<1x16xi32, #tpu.memory_space<vmem>> -> memref<16xi32, #tpu.memory_space<vmem>>
      %dma_start3A_349 = arith.constant 9984 : i32
      %dma_start3A_350 = tpu.memref_slice %arg3[%dma_start3A_349] : memref<10000xi32, #tpu.memory_space<hbm>> -> memref<16xi32, #tpu.memory_space<hbm>>
      tpu.enqueue_dma source(%dma_start3A_350 : memref<16xi32, #tpu.memory_space<hbm>>) target(%dma_start3A_348 : memref<16xi32, #tpu.memory_space<vmem>>) target_semaphore(%dma_start3A_345 : memref<!tpu.dma_semaphore, #tpu.memory_space<semaphore_mem>>)
      %dma_start3A_351 = arith.constant 4 : i32
      %dma_start3A_352 = arith.constant 4 : i32
      %dma_start3A_353 = arith.constant 0 : i32
      %dma_start3A_354 = arith.constant 0 : i32
      %dma_start3A_355 = tpu.memref_slice %arg6[%dma_start3A_351, %dma_start3A_353, %dma_start3A_354] : memref<5x128x128xf32, #tpu.memory_space<vmem>> -> memref<1x16x128xf32, #tpu.memory_space<vmem>>
      %dma_start3A_356 = tpu.memref_squeeze %dma_start3A_355 : memref<1x16x128xf32, #tpu.memory_space<vmem>> -> memref<16x128xf32, #tpu.memory_space<vmem>>
      %dma_start3A_357 = arith.constant 9984 : i32
      %dma_start3A_358 = arith.constant 0 : i32
      %dma_start3A_359 = tpu.memref_slice %arg2[%dma_start3A_357, %dma_start3A_358] : memref<10000x128xf32, #tpu.memory_space<hbm>> -> memref<16x128xf32, #tpu.memory_space<hbm>>
      %dma_start3A_360 = tpu.memref_slice %arg10[%dma_start3A_352] : memref<5x!tpu.dma_semaphore, #tpu.memory_space<semaphore_mem>> -> memref<1x!tpu.dma_semaphore, #tpu.memory_space<semaphore_mem>>
      %dma_start3A_361 = tpu.memref_squeeze %dma_start3A_360 : memref<1x!tpu.dma_semaphore, #tpu.memory_space<semaphore_mem>> -> memref<!tpu.dma_semaphore, #tpu.memory_space<semaphore_mem>>
      %dma_start3A_362 = arith.constant 0 : i32
      %dma_start3A_363 = arith.constant 0 : i32
      %dma_start3A_364 = tpu.memref_slice %arg6[%dma_start3A_351, %dma_start3A_362, %dma_start3A_363] : memref<5x128x128xf32, #tpu.memory_space<vmem>> -> memref<1x16x128xf32, #tpu.memory_space<vmem>>
      %dma_start3A_365 = tpu.memref_squeeze %dma_start3A_364 : memref<1x16x128xf32, #tpu.memory_space<vmem>> -> memref<16x128xf32, #tpu.memory_space<vmem>>
      %dma_start3A_366 = arith.constant 9984 : i32
      %dma_start3A_367 = arith.constant 0 : i32
      %dma_start3A_368 = tpu.memref_slice %arg2[%dma_start3A_366, %dma_start3A_367] : memref<10000x128xf32, #tpu.memory_space<hbm>> -> memref<16x128xf32, #tpu.memory_space<hbm>>
      tpu.enqueue_dma source(%dma_start3A_368 : memref<16x128xf32, #tpu.memory_space<hbm>>) target(%dma_start3A_365 : memref<16x128xf32, #tpu.memory_space<vmem>>) target_semaphore(%dma_start3A_361 : memref<!tpu.dma_semaphore, #tpu.memory_space<semaphore_mem>>)
    } else {
    }
    %add3A_19 = arith.constant 32 : i32
    %add3A_20 = arith.addi %arg1, %add3A_19 : i32
    %lt3A_21 = arith.constant 78 : i32
    %lt3A_22 = arith.cmpi slt, %add3A_20, %lt3A_21 : i32
    %convert_element_type3A_23 = arith.extui %lt3A_22 : i1 to i32
    %cond3A_24 = arith.constant 0 : i32
    %cond3A_25 = arith.cmpi ne, %convert_element_type3A_23, %cond3A_24 : i32
    scf.if %cond3A_25 {
      %mul3A_337 = arith.constant 128 : i32
      %mul3A_338 = arith.muli %add3A_20, %mul3A_337 : i32
      %dma_start3A_339 = arith.constant 2 : i32
      %dma_start3A_340 = arith.constant 2 : i32
      %dma_start3A_341 = arith.constant 0 : i32
      %dma_start3A_342 = tpu.memref_slice %arg5[%dma_start3A_339, %dma_start3A_341] : memref<5x128xi32, #tpu.memory_space<vmem>> -> memref<1x128xi32, #tpu.memory_space<vmem>>
      %dma_start3A_343 = tpu.memref_squeeze %dma_start3A_342 : memref<1x128xi32, #tpu.memory_space<vmem>> -> memref<128xi32, #tpu.memory_space<vmem>>
      %dma_start3A_344 = tpu.memref_slice %arg3[%mul3A_338] : memref<10000xi32, #tpu.memory_space<hbm>> -> memref<128xi32, #tpu.memory_space<hbm>>
      %dma_start3A_345 = tpu.memref_slice %arg9[%dma_start3A_340] : memref<5x!tpu.dma_semaphore, #tpu.memory_space<semaphore_mem>> -> memref<1x!tpu.dma_semaphore, #tpu.memory_space<semaphore_mem>>
      %dma_start3A_346 = tpu.memref_squeeze %dma_start3A_345 : memref<1x!tpu.dma_semaphore, #tpu.memory_space<semaphore_mem>> -> memref<!tpu.dma_semaphore, #tpu.memory_space<semaphore_mem>>
      %dma_start3A_347 = arith.constant 0 : i32
      %dma_start3A_348 = tpu.memref_slice %arg5[%dma_start3A_339, %dma_start3A_347] : memref<5x128xi32, #tpu.memory_space<vmem>> -> memref<1x128xi32, #tpu.memory_space<vmem>>
      %dma_start3A_349 = tpu.memref_squeeze %dma_start3A_348 : memref<1x128xi32, #tpu.memory_space<vmem>> -> memref<128xi32, #tpu.memory_space<vmem>>
      %dma_start3A_350 = tpu.memref_slice %arg3[%mul3A_338] : memref<10000xi32, #tpu.memory_space<hbm>> -> memref<128xi32, #tpu.memory_space<hbm>>
      tpu.enqueue_dma source(%dma_start3A_350 : memref<128xi32, #tpu.memory_space<hbm>>) target(%dma_start3A_349 : memref<128xi32, #tpu.memory_space<vmem>>) target_semaphore(%dma_start3A_346 : memref<!tpu.dma_semaphore, #tpu.memory_space<semaphore_mem>>)
      %mul3A_351 = arith.constant 128 : i32
      %mul3A_352 = arith.muli %add3A_20, %mul3A_351 : i32
      %dma_start3A_353 = arith.constant 2 : i32
      %dma_start3A_354 = arith.constant 2 : i32
      %dma_start3A_355 = arith.constant 0 : i32
      %dma_start3A_356 = arith.constant 0 : i32
      %dma_start3A_357 = tpu.memref_slice %arg6[%dma_start3A_353, %dma_start3A_355, %dma_start3A_356] : memref<5x128x128xf32, #tpu.memory_space<vmem>> -> memref<1x128x128xf32, #tpu.memory_space<vmem>>
      %dma_start3A_358 = tpu.memref_squeeze %dma_start3A_357 : memref<1x128x128xf32, #tpu.memory_space<vmem>> -> memref<128x128xf32, #tpu.memory_space<vmem>>
      %dma_start3A_359 = arith.constant 0 : i32
      %dma_start3A_360 = tpu.memref_slice %arg2[%mul3A_352, %dma_start3A_359] : memref<10000x128xf32, #tpu.memory_space<hbm>> -> memref<128x128xf32, #tpu.memory_space<hbm>>
      %dma_start3A_361 = tpu.memref_slice %arg10[%dma_start3A_354] : memref<5x!tpu.dma_semaphore, #tpu.memory_space<semaphore_mem>> -> memref<1x!tpu.dma_semaphore, #tpu.memory_space<semaphore_mem>>
      %dma_start3A_362 = tpu.memref_squeeze %dma_start3A_361 : memref<1x!tpu.dma_semaphore, #tpu.memory_space<semaphore_mem>> -> memref<!tpu.dma_semaphore, #tpu.memory_space<semaphore_mem>>
      %dma_start3A_363 = arith.constant 0 : i32
      %dma_start3A_364 = arith.constant 0 : i32
      %dma_start3A_365 = tpu.memref_slice %arg6[%dma_start3A_353, %dma_start3A_363, %dma_start3A_364] : memref<5x128x128xf32, #tpu.memory_space<vmem>> -> memref<1x128x128xf32, #tpu.memory_space<vmem>>
      %dma_start3A_366 = tpu.memref_squeeze %dma_start3A_365 : memref<1x128x128xf32, #tpu.memory_space<vmem>> -> memref<128x128xf32, #tpu.memory_space<vmem>>
      %dma_start3A_367 = arith.constant 0 : i32
      %dma_start3A_368 = tpu.memref_slice %arg2[%mul3A_352, %dma_start3A_367] : memref<10000x128xf32, #tpu.memory_space<hbm>> -> memref<128x128xf32, #tpu.memory_space<hbm>>
      tpu.enqueue_dma source(%dma_start3A_368 : memref<128x128xf32, #tpu.memory_space<hbm>>) target(%dma_start3A_366 : memref<128x128xf32, #tpu.memory_space<vmem>>) target_semaphore(%dma_start3A_362 : memref<!tpu.dma_semaphore, #tpu.memory_space<semaphore_mem>>)
    } else {
    }
    %eq3A_26 = arith.constant 79 : i32
    %eq3A_27 = arith.cmpi eq, %add3A_20, %eq3A_26 : i32
    %convert_element_type3A_28 = arith.extui %eq3A_27 : i1 to i32
    %cond3A_29 = arith.constant 0 : i32
    %cond3A_30 = arith.cmpi ne, %convert_element_type3A_28, %cond3A_29 : i32
    scf.if %cond3A_30 {
      %dma_start3A_337 = arith.constant 4 : i32
      %dma_start3A_338 = arith.constant 4 : i32
      %dma_start3A_339 = arith.constant 0 : i32
      %dma_start3A_340 = tpu.memref_slice %arg5[%dma_start3A_337, %dma_start3A_339] : memref<5x128xi32, #tpu.memory_space<vmem>> -> memref<1x16xi32, #tpu.memory_space<vmem>>
      %dma_start3A_341 = tpu.memref_squeeze %dma_start3A_340 : memref<1x16xi32, #tpu.memory_space<vmem>> -> memref<16xi32, #tpu.memory_space<vmem>>
      %dma_start3A_342 = arith.constant 9984 : i32
      %dma_start3A_343 = tpu.memref_slice %arg3[%dma_start3A_342] : memref<10000xi32, #tpu.memory_space<hbm>> -> memref<16xi32, #tpu.memory_space<hbm>>
      %dma_start3A_344 = tpu.memref_slice %arg9[%dma_start3A_338] : memref<5x!tpu.dma_semaphore, #tpu.memory_space<semaphore_mem>> -> memref<1x!tpu.dma_semaphore, #tpu.memory_space<semaphore_mem>>
      %dma_start3A_345 = tpu.memref_squeeze %dma_start3A_344 : memref<1x!tpu.dma_semaphore, #tpu.memory_space<semaphore_mem>> -> memref<!tpu.dma_semaphore, #tpu.memory_space<semaphore_mem>>
      %dma_start3A_346 = arith.constant 0 : i32
      %dma_start3A_347 = tpu.memref_slice %arg5[%dma_start3A_337, %dma_start3A_346] : memref<5x128xi32, #tpu.memory_space<vmem>> -> memref<1x16xi32, #tpu.memory_space<vmem>>
      %dma_start3A_348 = tpu.memref_squeeze %dma_start3A_347 : memref<1x16xi32, #tpu.memory_space<vmem>> -> memref<16xi32, #tpu.memory_space<vmem>>
      %dma_start3A_349 = arith.constant 9984 : i32
      %dma_start3A_350 = tpu.memref_slice %arg3[%dma_start3A_349] : memref<10000xi32, #tpu.memory_space<hbm>> -> memref<16xi32, #tpu.memory_space<hbm>>
      tpu.enqueue_dma source(%dma_start3A_350 : memref<16xi32, #tpu.memory_space<hbm>>) target(%dma_start3A_348 : memref<16xi32, #tpu.memory_space<vmem>>) target_semaphore(%dma_start3A_345 : memref<!tpu.dma_semaphore, #tpu.memory_space<semaphore_mem>>)
      %dma_start3A_351 = arith.constant 4 : i32
      %dma_start3A_352 = arith.constant 4 : i32
      %dma_start3A_353 = arith.constant 0 : i32
      %dma_start3A_354 = arith.constant 0 : i32
      %dma_start3A_355 = tpu.memref_slice %arg6[%dma_start3A_351, %dma_start3A_353, %dma_start3A_354] : memref<5x128x128xf32, #tpu.memory_space<vmem>> -> memref<1x16x128xf32, #tpu.memory_space<vmem>>
      %dma_start3A_356 = tpu.memref_squeeze %dma_start3A_355 : memref<1x16x128xf32, #tpu.memory_space<vmem>> -> memref<16x128xf32, #tpu.memory_space<vmem>>
      %dma_start3A_357 = arith.constant 9984 : i32
      %dma_start3A_358 = arith.constant 0 : i32
      %dma_start3A_359 = tpu.memref_slice %arg2[%dma_start3A_357, %dma_start3A_358] : memref<10000x128xf32, #tpu.memory_space<hbm>> -> memref<16x128xf32, #tpu.memory_space<hbm>>
      %dma_start3A_360 = tpu.memref_slice %arg10[%dma_start3A_352] : memref<5x!tpu.dma_semaphore, #tpu.memory_space<semaphore_mem>> -> memref<1x!tpu.dma_semaphore, #tpu.memory_space<semaphore_mem>>
      %dma_start3A_361 = tpu.memref_squeeze %dma_start3A_360 : memref<1x!tpu.dma_semaphore, #tpu.memory_space<semaphore_mem>> -> memref<!tpu.dma_semaphore, #tpu.memory_space<semaphore_mem>>
      %dma_start3A_362 = arith.constant 0 : i32
      %dma_start3A_363 = arith.constant 0 : i32
      %dma_start3A_364 = tpu.memref_slice %arg6[%dma_start3A_351, %dma_start3A_362, %dma_start3A_363] : memref<5x128x128xf32, #tpu.memory_space<vmem>> -> memref<1x16x128xf32, #tpu.memory_space<vmem>>
      %dma_start3A_365 = tpu.memref_squeeze %dma_start3A_364 : memref<1x16x128xf32, #tpu.memory_space<vmem>> -> memref<16x128xf32, #tpu.memory_space<vmem>>
      %dma_start3A_366 = arith.constant 9984 : i32
      %dma_start3A_367 = arith.constant 0 : i32
      %dma_start3A_368 = tpu.memref_slice %arg2[%dma_start3A_366, %dma_start3A_367] : memref<10000x128xf32, #tpu.memory_space<hbm>> -> memref<16x128xf32, #tpu.memory_space<hbm>>
      tpu.enqueue_dma source(%dma_start3A_368 : memref<16x128xf32, #tpu.memory_space<hbm>>) target(%dma_start3A_365 : memref<16x128xf32, #tpu.memory_space<vmem>>) target_semaphore(%dma_start3A_361 : memref<!tpu.dma_semaphore, #tpu.memory_space<semaphore_mem>>)
    } else {
    }
    %add3A_31 = arith.constant 48 : i32
    %add3A_32 = arith.addi %arg1, %add3A_31 : i32
    %lt3A_33 = arith.constant 78 : i32
    %lt3A_34 = arith.cmpi slt, %add3A_32, %lt3A_33 : i32
    %convert_element_type3A_35 = arith.extui %lt3A_34 : i1 to i32
    %cond3A_36 = arith.constant 0 : i32
    %cond3A_37 = arith.cmpi ne, %convert_element_type3A_35, %cond3A_36 : i32
    scf.if %cond3A_37 {
      %mul3A_337 = arith.constant 128 : i32
      %mul3A_338 = arith.muli %add3A_32, %mul3A_337 : i32
      %dma_start3A_339 = arith.constant 3 : i32
      %dma_start3A_340 = arith.constant 3 : i32
      %dma_start3A_341 = arith.constant 0 : i32
      %dma_start3A_342 = tpu.memref_slice %arg5[%dma_start3A_339, %dma_start3A_341] : memref<5x128xi32, #tpu.memory_space<vmem>> -> memref<1x128xi32, #tpu.memory_space<vmem>>
      %dma_start3A_343 = tpu.memref_squeeze %dma_start3A_342 : memref<1x128xi32, #tpu.memory_space<vmem>> -> memref<128xi32, #tpu.memory_space<vmem>>
      %dma_start3A_344 = tpu.memref_slice %arg3[%mul3A_338] : memref<10000xi32, #tpu.memory_space<hbm>> -> memref<128xi32, #tpu.memory_space<hbm>>
      %dma_start3A_345 = tpu.memref_slice %arg9[%dma_start3A_340] : memref<5x!tpu.dma_semaphore, #tpu.memory_space<semaphore_mem>> -> memref<1x!tpu.dma_semaphore, #tpu.memory_space<semaphore_mem>>
      %dma_start3A_346 = tpu.memref_squeeze %dma_start3A_345 : memref<1x!tpu.dma_semaphore, #tpu.memory_space<semaphore_mem>> -> memref<!tpu.dma_semaphore, #tpu.memory_space<semaphore_mem>>
      %dma_start3A_347 = arith.constant 0 : i32
      %dma_start3A_348 = tpu.memref_slice %arg5[%dma_start3A_339, %dma_start3A_347] : memref<5x128xi32, #tpu.memory_space<vmem>> -> memref<1x128xi32, #tpu.memory_space<vmem>>
      %dma_start3A_349 = tpu.memref_squeeze %dma_start3A_348 : memref<1x128xi32, #tpu.memory_space<vmem>> -> memref<128xi32, #tpu.memory_space<vmem>>
      %dma_start3A_350 = tpu.memref_slice %arg3[%mul3A_338] : memref<10000xi32, #tpu.memory_space<hbm>> -> memref<128xi32, #tpu.memory_space<hbm>>
      tpu.enqueue_dma source(%dma_start3A_350 : memref<128xi32, #tpu.memory_space<hbm>>) target(%dma_start3A_349 : memref<128xi32, #tpu.memory_space<vmem>>) target_semaphore(%dma_start3A_346 : memref<!tpu.dma_semaphore, #tpu.memory_space<semaphore_mem>>)
      %mul3A_351 = arith.constant 128 : i32
      %mul3A_352 = arith.muli %add3A_32, %mul3A_351 : i32
      %dma_start3A_353 = arith.constant 3 : i32
      %dma_start3A_354 = arith.constant 3 : i32
      %dma_start3A_355 = arith.constant 0 : i32
      %dma_start3A_356 = arith.constant 0 : i32
      %dma_start3A_357 = tpu.memref_slice %arg6[%dma_start3A_353, %dma_start3A_355, %dma_start3A_356] : memref<5x128x128xf32, #tpu.memory_space<vmem>> -> memref<1x128x128xf32, #tpu.memory_space<vmem>>
      %dma_start3A_358 = tpu.memref_squeeze %dma_start3A_357 : memref<1x128x128xf32, #tpu.memory_space<vmem>> -> memref<128x128xf32, #tpu.memory_space<vmem>>
      %dma_start3A_359 = arith.constant 0 : i32
      %dma_start3A_360 = tpu.memref_slice %arg2[%mul3A_352, %dma_start3A_359] : memref<10000x128xf32, #tpu.memory_space<hbm>> -> memref<128x128xf32, #tpu.memory_space<hbm>>
      %dma_start3A_361 = tpu.memref_slice %arg10[%dma_start3A_354] : memref<5x!tpu.dma_semaphore, #tpu.memory_space<semaphore_mem>> -> memref<1x!tpu.dma_semaphore, #tpu.memory_space<semaphore_mem>>
      %dma_start3A_362 = tpu.memref_squeeze %dma_start3A_361 : memref<1x!tpu.dma_semaphore, #tpu.memory_space<semaphore_mem>> -> memref<!tpu.dma_semaphore, #tpu.memory_space<semaphore_mem>>
      %dma_start3A_363 = arith.constant 0 : i32
      %dma_start3A_364 = arith.constant 0 : i32
      %dma_start3A_365 = tpu.memref_slice %arg6[%dma_start3A_353, %dma_start3A_363, %dma_start3A_364] : memref<5x128x128xf32, #tpu.memory_space<vmem>> -> memref<1x128x128xf32, #tpu.memory_space<vmem>>
      %dma_start3A_366 = tpu.memref_squeeze %dma_start3A_365 : memref<1x128x128xf32, #tpu.memory_space<vmem>> -> memref<128x128xf32, #tpu.memory_space<vmem>>
      %dma_start3A_367 = arith.constant 0 : i32
      %dma_start3A_368 = tpu.memref_slice %arg2[%mul3A_352, %dma_start3A_367] : memref<10000x128xf32, #tpu.memory_space<hbm>> -> memref<128x128xf32, #tpu.memory_space<hbm>>
      tpu.enqueue_dma source(%dma_start3A_368 : memref<128x128xf32, #tpu.memory_space<hbm>>) target(%dma_start3A_366 : memref<128x128xf32, #tpu.memory_space<vmem>>) target_semaphore(%dma_start3A_362 : memref<!tpu.dma_semaphore, #tpu.memory_space<semaphore_mem>>)
    } else {
    }
    %eq3A_38 = arith.constant 79 : i32
    %eq3A_39 = arith.cmpi eq, %add3A_32, %eq3A_38 : i32
    %convert_element_type3A_40 = arith.extui %eq3A_39 : i1 to i32
    %cond3A_41 = arith.constant 0 : i32
    %cond3A_42 = arith.cmpi ne, %convert_element_type3A_40, %cond3A_41 : i32
    scf.if %cond3A_42 {
      %dma_start3A_337 = arith.constant 4 : i32
      %dma_start3A_338 = arith.constant 4 : i32
      %dma_start3A_339 = arith.constant 0 : i32
      %dma_start3A_340 = tpu.memref_slice %arg5[%dma_start3A_337, %dma_start3A_339] : memref<5x128xi32, #tpu.memory_space<vmem>> -> memref<1x16xi32, #tpu.memory_space<vmem>>
      %dma_start3A_341 = tpu.memref_squeeze %dma_start3A_340 : memref<1x16xi32, #tpu.memory_space<vmem>> -> memref<16xi32, #tpu.memory_space<vmem>>
      %dma_start3A_342 = arith.constant 9984 : i32
      %dma_start3A_343 = tpu.memref_slice %arg3[%dma_start3A_342] : memref<10000xi32, #tpu.memory_space<hbm>> -> memref<16xi32, #tpu.memory_space<hbm>>
      %dma_start3A_344 = tpu.memref_slice %arg9[%dma_start3A_338] : memref<5x!tpu.dma_semaphore, #tpu.memory_space<semaphore_mem>> -> memref<1x!tpu.dma_semaphore, #tpu.memory_space<semaphore_mem>>
      %dma_start3A_345 = tpu.memref_squeeze %dma_start3A_344 : memref<1x!tpu.dma_semaphore, #tpu.memory_space<semaphore_mem>> -> memref<!tpu.dma_semaphore, #tpu.memory_space<semaphore_mem>>
      %dma_start3A_346 = arith.constant 0 : i32
      %dma_start3A_347 = tpu.memref_slice %arg5[%dma_start3A_337, %dma_start3A_346] : memref<5x128xi32, #tpu.memory_space<vmem>> -> memref<1x16xi32, #tpu.memory_space<vmem>>
      %dma_start3A_348 = tpu.memref_squeeze %dma_start3A_347 : memref<1x16xi32, #tpu.memory_space<vmem>> -> memref<16xi32, #tpu.memory_space<vmem>>
      %dma_start3A_349 = arith.constant 9984 : i32
      %dma_start3A_350 = tpu.memref_slice %arg3[%dma_start3A_349] : memref<10000xi32, #tpu.memory_space<hbm>> -> memref<16xi32, #tpu.memory_space<hbm>>
      tpu.enqueue_dma source(%dma_start3A_350 : memref<16xi32, #tpu.memory_space<hbm>>) target(%dma_start3A_348 : memref<16xi32, #tpu.memory_space<vmem>>) target_semaphore(%dma_start3A_345 : memref<!tpu.dma_semaphore, #tpu.memory_space<semaphore_mem>>)
      %dma_start3A_351 = arith.constant 4 : i32
      %dma_start3A_352 = arith.constant 4 : i32
      %dma_start3A_353 = arith.constant 0 : i32
      %dma_start3A_354 = arith.constant 0 : i32
      %dma_start3A_355 = tpu.memref_slice %arg6[%dma_start3A_351, %dma_start3A_353, %dma_start3A_354] : memref<5x128x128xf32, #tpu.memory_space<vmem>> -> memref<1x16x128xf32, #tpu.memory_space<vmem>>
      %dma_start3A_356 = tpu.memref_squeeze %dma_start3A_355 : memref<1x16x128xf32, #tpu.memory_space<vmem>> -> memref<16x128xf32, #tpu.memory_space<vmem>>
      %dma_start3A_357 = arith.constant 9984 : i32
      %dma_start3A_358 = arith.constant 0 : i32
      %dma_start3A_359 = tpu.memref_slice %arg2[%dma_start3A_357, %dma_start3A_358] : memref<10000x128xf32, #tpu.memory_space<hbm>> -> memref<16x128xf32, #tpu.memory_space<hbm>>
      %dma_start3A_360 = tpu.memref_slice %arg10[%dma_start3A_352] : memref<5x!tpu.dma_semaphore, #tpu.memory_space<semaphore_mem>> -> memref<1x!tpu.dma_semaphore, #tpu.memory_space<semaphore_mem>>
      %dma_start3A_361 = tpu.memref_squeeze %dma_start3A_360 : memref<1x!tpu.dma_semaphore, #tpu.memory_space<semaphore_mem>> -> memref<!tpu.dma_semaphore, #tpu.memory_space<semaphore_mem>>
      %dma_start3A_362 = arith.constant 0 : i32
      %dma_start3A_363 = arith.constant 0 : i32
      %dma_start3A_364 = tpu.memref_slice %arg6[%dma_start3A_351, %dma_start3A_362, %dma_start3A_363] : memref<5x128x128xf32, #tpu.memory_space<vmem>> -> memref<1x16x128xf32, #tpu.memory_space<vmem>>
      %dma_start3A_365 = tpu.memref_squeeze %dma_start3A_364 : memref<1x16x128xf32, #tpu.memory_space<vmem>> -> memref<16x128xf32, #tpu.memory_space<vmem>>
      %dma_start3A_366 = arith.constant 9984 : i32
      %dma_start3A_367 = arith.constant 0 : i32
      %dma_start3A_368 = tpu.memref_slice %arg2[%dma_start3A_366, %dma_start3A_367] : memref<10000x128xf32, #tpu.memory_space<hbm>> -> memref<16x128xf32, #tpu.memory_space<hbm>>
      tpu.enqueue_dma source(%dma_start3A_368 : memref<16x128xf32, #tpu.memory_space<hbm>>) target(%dma_start3A_365 : memref<16x128xf32, #tpu.memory_space<vmem>>) target_semaphore(%dma_start3A_361 : memref<!tpu.dma_semaphore, #tpu.memory_space<semaphore_mem>>)
    } else {
    }
    %add3A_43 = arith.constant 64 : i32
    %add3A_44 = arith.addi %arg1, %add3A_43 : i32
    %lt3A_45 = arith.constant 78 : i32
    %lt3A_46 = arith.cmpi slt, %add3A_44, %lt3A_45 : i32
    %convert_element_type3A_47 = arith.extui %lt3A_46 : i1 to i32
    %cond3A_48 = arith.constant 0 : i32
    %cond3A_49 = arith.cmpi ne, %convert_element_type3A_47, %cond3A_48 : i32
    scf.if %cond3A_49 {
      %mul3A_337 = arith.constant 128 : i32
      %mul3A_338 = arith.muli %add3A_44, %mul3A_337 : i32
      %dma_start3A_339 = arith.constant 4 : i32
      %dma_start3A_340 = arith.constant 4 : i32
      %dma_start3A_341 = arith.constant 0 : i32
      %dma_start3A_342 = tpu.memref_slice %arg5[%dma_start3A_339, %dma_start3A_341] : memref<5x128xi32, #tpu.memory_space<vmem>> -> memref<1x128xi32, #tpu.memory_space<vmem>>
      %dma_start3A_343 = tpu.memref_squeeze %dma_start3A_342 : memref<1x128xi32, #tpu.memory_space<vmem>> -> memref<128xi32, #tpu.memory_space<vmem>>
      %dma_start3A_344 = tpu.memref_slice %arg3[%mul3A_338] : memref<10000xi32, #tpu.memory_space<hbm>> -> memref<128xi32, #tpu.memory_space<hbm>>
      %dma_start3A_345 = tpu.memref_slice %arg9[%dma_start3A_340] : memref<5x!tpu.dma_semaphore, #tpu.memory_space<semaphore_mem>> -> memref<1x!tpu.dma_semaphore, #tpu.memory_space<semaphore_mem>>
      %dma_start3A_346 = tpu.memref_squeeze %dma_start3A_345 : memref<1x!tpu.dma_semaphore, #tpu.memory_space<semaphore_mem>> -> memref<!tpu.dma_semaphore, #tpu.memory_space<semaphore_mem>>
      %dma_start3A_347 = arith.constant 0 : i32
      %dma_start3A_348 = tpu.memref_slice %arg5[%dma_start3A_339, %dma_start3A_347] : memref<5x128xi32, #tpu.memory_space<vmem>> -> memref<1x128xi32, #tpu.memory_space<vmem>>
      %dma_start3A_349 = tpu.memref_squeeze %dma_start3A_348 : memref<1x128xi32, #tpu.memory_space<vmem>> -> memref<128xi32, #tpu.memory_space<vmem>>
      %dma_start3A_350 = tpu.memref_slice %arg3[%mul3A_338] : memref<10000xi32, #tpu.memory_space<hbm>> -> memref<128xi32, #tpu.memory_space<hbm>>
      tpu.enqueue_dma source(%dma_start3A_350 : memref<128xi32, #tpu.memory_space<hbm>>) target(%dma_start3A_349 : memref<128xi32, #tpu.memory_space<vmem>>) target_semaphore(%dma_start3A_346 : memref<!tpu.dma_semaphore, #tpu.memory_space<semaphore_mem>>)
      %mul3A_351 = arith.constant 128 : i32
      %mul3A_352 = arith.muli %add3A_44, %mul3A_351 : i32
      %dma_start3A_353 = arith.constant 4 : i32
      %dma_start3A_354 = arith.constant 4 : i32
      %dma_start3A_355 = arith.constant 0 : i32
      %dma_start3A_356 = arith.constant 0 : i32
      %dma_start3A_357 = tpu.memref_slice %arg6[%dma_start3A_353, %dma_start3A_355, %dma_start3A_356] : memref<5x128x128xf32, #tpu.memory_space<vmem>> -> memref<1x128x128xf32, #tpu.memory_space<vmem>>
      %dma_start3A_358 = tpu.memref_squeeze %dma_start3A_357 : memref<1x128x128xf32, #tpu.memory_space<vmem>> -> memref<128x128xf32, #tpu.memory_space<vmem>>
      %dma_start3A_359 = arith.constant 0 : i32
      %dma_start3A_360 = tpu.memref_slice %arg2[%mul3A_352, %dma_start3A_359] : memref<10000x128xf32, #tpu.memory_space<hbm>> -> memref<128x128xf32, #tpu.memory_space<hbm>>
      %dma_start3A_361 = tpu.memref_slice %arg10[%dma_start3A_354] : memref<5x!tpu.dma_semaphore, #tpu.memory_space<semaphore_mem>> -> memref<1x!tpu.dma_semaphore, #tpu.memory_space<semaphore_mem>>
      %dma_start3A_362 = tpu.memref_squeeze %dma_start3A_361 : memref<1x!tpu.dma_semaphore, #tpu.memory_space<semaphore_mem>> -> memref<!tpu.dma_semaphore, #tpu.memory_space<semaphore_mem>>
      %dma_start3A_363 = arith.constant 0 : i32
      %dma_start3A_364 = arith.constant 0 : i32
      %dma_start3A_365 = tpu.memref_slice %arg6[%dma_start3A_353, %dma_start3A_363, %dma_start3A_364] : memref<5x128x128xf32, #tpu.memory_space<vmem>> -> memref<1x128x128xf32, #tpu.memory_space<vmem>>
      %dma_start3A_366 = tpu.memref_squeeze %dma_start3A_365 : memref<1x128x128xf32, #tpu.memory_space<vmem>> -> memref<128x128xf32, #tpu.memory_space<vmem>>
      %dma_start3A_367 = arith.constant 0 : i32
      %dma_start3A_368 = tpu.memref_slice %arg2[%mul3A_352, %dma_start3A_367] : memref<10000x128xf32, #tpu.memory_space<hbm>> -> memref<128x128xf32, #tpu.memory_space<hbm>>
      tpu.enqueue_dma source(%dma_start3A_368 : memref<128x128xf32, #tpu.memory_space<hbm>>) target(%dma_start3A_366 : memref<128x128xf32, #tpu.memory_space<vmem>>) target_semaphore(%dma_start3A_362 : memref<!tpu.dma_semaphore, #tpu.memory_space<semaphore_mem>>)
    } else {
    }
    %eq3A_50 = arith.constant 79 : i32
    %eq3A_51 = arith.cmpi eq, %add3A_44, %eq3A_50 : i32
    %convert_element_type3A_52 = arith.extui %eq3A_51 : i1 to i32
    %cond3A_53 = arith.constant 0 : i32
    %cond3A_54 = arith.cmpi ne, %convert_element_type3A_52, %cond3A_53 : i32
    scf.if %cond3A_54 {
      %dma_start3A_337 = arith.constant 4 : i32
      %dma_start3A_338 = arith.constant 4 : i32
      %dma_start3A_339 = arith.constant 0 : i32
      %dma_start3A_340 = tpu.memref_slice %arg5[%dma_start3A_337, %dma_start3A_339] : memref<5x128xi32, #tpu.memory_space<vmem>> -> memref<1x16xi32, #tpu.memory_space<vmem>>
      %dma_start3A_341 = tpu.memref_squeeze %dma_start3A_340 : memref<1x16xi32, #tpu.memory_space<vmem>> -> memref<16xi32, #tpu.memory_space<vmem>>
      %dma_start3A_342 = arith.constant 9984 : i32
      %dma_start3A_343 = tpu.memref_slice %arg3[%dma_start3A_342] : memref<10000xi32, #tpu.memory_space<hbm>> -> memref<16xi32, #tpu.memory_space<hbm>>
      %dma_start3A_344 = tpu.memref_slice %arg9[%dma_start3A_338] : memref<5x!tpu.dma_semaphore, #tpu.memory_space<semaphore_mem>> -> memref<1x!tpu.dma_semaphore, #tpu.memory_space<semaphore_mem>>
      %dma_start3A_345 = tpu.memref_squeeze %dma_start3A_344 : memref<1x!tpu.dma_semaphore, #tpu.memory_space<semaphore_mem>> -> memref<!tpu.dma_semaphore, #tpu.memory_space<semaphore_mem>>
      %dma_start3A_346 = arith.constant 0 : i32
      %dma_start3A_347 = tpu.memref_slice %arg5[%dma_start3A_337, %dma_start3A_346] : memref<5x128xi32, #tpu.memory_space<vmem>> -> memref<1x16xi32, #tpu.memory_space<vmem>>
      %dma_start3A_348 = tpu.memref_squeeze %dma_start3A_347 : memref<1x16xi32, #tpu.memory_space<vmem>> -> memref<16xi32, #tpu.memory_space<vmem>>
      %dma_start3A_349 = arith.constant 9984 : i32
      %dma_start3A_350 = tpu.memref_slice %arg3[%dma_start3A_349] : memref<10000xi32, #tpu.memory_space<hbm>> -> memref<16xi32, #tpu.memory_space<hbm>>
      tpu.enqueue_dma source(%dma_start3A_350 : memref<16xi32, #tpu.memory_space<hbm>>) target(%dma_start3A_348 : memref<16xi32, #tpu.memory_space<vmem>>) target_semaphore(%dma_start3A_345 : memref<!tpu.dma_semaphore, #tpu.memory_space<semaphore_mem>>)
      %dma_start3A_351 = arith.constant 4 : i32
      %dma_start3A_352 = arith.constant 4 : i32
      %dma_start3A_353 = arith.constant 0 : i32
      %dma_start3A_354 = arith.constant 0 : i32
      %dma_start3A_355 = tpu.memref_slice %arg6[%dma_start3A_351, %dma_start3A_353, %dma_start3A_354] : memref<5x128x128xf32, #tpu.memory_space<vmem>> -> memref<1x16x128xf32, #tpu.memory_space<vmem>>
      %dma_start3A_356 = tpu.memref_squeeze %dma_start3A_355 : memref<1x16x128xf32, #tpu.memory_space<vmem>> -> memref<16x128xf32, #tpu.memory_space<vmem>>
      %dma_start3A_357 = arith.constant 9984 : i32
      %dma_start3A_358 = arith.constant 0 : i32
      %dma_start3A_359 = tpu.memref_slice %arg2[%dma_start3A_357, %dma_start3A_358] : memref<10000x128xf32, #tpu.memory_space<hbm>> -> memref<16x128xf32, #tpu.memory_space<hbm>>
      %dma_start3A_360 = tpu.memref_slice %arg10[%dma_start3A_352] : memref<5x!tpu.dma_semaphore, #tpu.memory_space<semaphore_mem>> -> memref<1x!tpu.dma_semaphore, #tpu.memory_space<semaphore_mem>>
      %dma_start3A_361 = tpu.memref_squeeze %dma_start3A_360 : memref<1x!tpu.dma_semaphore, #tpu.memory_space<semaphore_mem>> -> memref<!tpu.dma_semaphore, #tpu.memory_space<semaphore_mem>>
      %dma_start3A_362 = arith.constant 0 : i32
      %dma_start3A_363 = arith.constant 0 : i32
      %dma_start3A_364 = tpu.memref_slice %arg6[%dma_start3A_351, %dma_start3A_362, %dma_start3A_363] : memref<5x128x128xf32, #tpu.memory_space<vmem>> -> memref<1x16x128xf32, #tpu.memory_space<vmem>>
      %dma_start3A_365 = tpu.memref_squeeze %dma_start3A_364 : memref<1x16x128xf32, #tpu.memory_space<vmem>> -> memref<16x128xf32, #tpu.memory_space<vmem>>
      %dma_start3A_366 = arith.constant 9984 : i32
      %dma_start3A_367 = arith.constant 0 : i32
      %dma_start3A_368 = tpu.memref_slice %arg2[%dma_start3A_366, %dma_start3A_367] : memref<10000x128xf32, #tpu.memory_space<hbm>> -> memref<16x128xf32, #tpu.memory_space<hbm>>
      tpu.enqueue_dma source(%dma_start3A_368 : memref<16x128xf32, #tpu.memory_space<hbm>>) target(%dma_start3A_365 : memref<16x128xf32, #tpu.memory_space<vmem>>) target_semaphore(%dma_start3A_361 : memref<!tpu.dma_semaphore, #tpu.memory_space<semaphore_mem>>)
    } else {
    }
    %scan3A = arith.constant 0 : i32
    %scan3A_55 = arith.constant 0 : i32
    %scan3A_56 = arith.constant 16 : i32
    %scan3A_57 = arith.addi %scan3A_55, %scan3A_56 : i32
    %scan3A_58 = arith.constant 1 : i32
    scf.for %scan3A_337 = %scan3A_55 to %scan3A_57 step %scan3A_58  : i32 {
      %broadcast_in_dim3A = arith.constant 0.000000e+00 : f32
      %broadcast_in_dim3A_338 = vector.broadcast %broadcast_in_dim3A : f32 to vector<16xf32>
      %swap3A = arith.index_cast %scan3A_337 : i32 to index
      %swap3A_339 = arith.constant 0 : index
      %swap3A_340 = tpu.vector_load %arg7[%swap3A, %swap3A_339] {strides = array<i32>} : memref<16x128xf32, #tpu.memory_space<vmem>>, vector<1x16xf32>,
      %swap3A_341 = vector.shape_cast %swap3A_340 : vector<1x16xf32> to vector<16xf32>
      %swap3A_342 = vector.shape_cast %broadcast_in_dim3A_338 : vector<16xf32> to vector<1x16xf32>
      tpu.vector_store %arg7[%swap3A, %swap3A_339], %swap3A_342 {strides = array<i32>} : memref<16x128xf32, #tpu.memory_space<vmem>>, vector<1x16xf32>,
      %broadcast_in_dim3A_343 = arith.constant 0.000000e+00 : f32
      %broadcast_in_dim3A_344 = vector.broadcast %broadcast_in_dim3A_343 : f32 to vector<16xf32>
      %swap3A_345 = arith.index_cast %scan3A_337 : i32 to index
      %swap3A_346 = arith.constant 16 : index
      %swap3A_347 = tpu.vector_load %arg7[%swap3A_345, %swap3A_346] {strides = array<i32>} : memref<16x128xf32, #tpu.memory_space<vmem>>, vector<1x16xf32>,
      %swap3A_348 = vector.shape_cast %swap3A_347 : vector<1x16xf32> to vector<16xf32>
      %swap3A_349 = vector.shape_cast %broadcast_in_dim3A_344 : vector<16xf32> to vector<1x16xf32>
      tpu.vector_store %arg7[%swap3A_345, %swap3A_346], %swap3A_349 {strides = array<i32>} : memref<16x128xf32, #tpu.memory_space<vmem>>, vector<1x16xf32>,
      %broadcast_in_dim3A_350 = arith.constant 0.000000e+00 : f32
      %broadcast_in_dim3A_351 = vector.broadcast %broadcast_in_dim3A_350 : f32 to vector<16xf32>
      %swap3A_352 = arith.index_cast %scan3A_337 : i32 to index
      %swap3A_353 = arith.constant 32 : index
      %swap3A_354 = tpu.vector_load %arg7[%swap3A_352, %swap3A_353] {strides = array<i32>} : memref<16x128xf32, #tpu.memory_space<vmem>>, vector<1x16xf32>,
      %swap3A_355 = vector.shape_cast %swap3A_354 : vector<1x16xf32> to vector<16xf32>
      %swap3A_356 = vector.shape_cast %broadcast_in_dim3A_351 : vector<16xf32> to vector<1x16xf32>
      tpu.vector_store %arg7[%swap3A_352, %swap3A_353], %swap3A_356 {strides = array<i32>} : memref<16x128xf32, #tpu.memory_space<vmem>>, vector<1x16xf32>,
      %broadcast_in_dim3A_357 = arith.constant 0.000000e+00 : f32
      %broadcast_in_dim3A_358 = vector.broadcast %broadcast_in_dim3A_357 : f32 to vector<16xf32>
      %swap3A_359 = arith.index_cast %scan3A_337 : i32 to index
      %swap3A_360 = arith.constant 48 : index
      %swap3A_361 = tpu.vector_load %arg7[%swap3A_359, %swap3A_360] {strides = array<i32>} : memref<16x128xf32, #tpu.memory_space<vmem>>, vector<1x16xf32>,
      %swap3A_362 = vector.shape_cast %swap3A_361 : vector<1x16xf32> to vector<16xf32>
      %swap3A_363 = vector.shape_cast %broadcast_in_dim3A_358 : vector<16xf32> to vector<1x16xf32>
      tpu.vector_store %arg7[%swap3A_359, %swap3A_360], %swap3A_363 {strides = array<i32>} : memref<16x128xf32, #tpu.memory_space<vmem>>, vector<1x16xf32>,
      %broadcast_in_dim3A_364 = arith.constant 0.000000e+00 : f32
      %broadcast_in_dim3A_365 = vector.broadcast %broadcast_in_dim3A_364 : f32 to vector<16xf32>
      %swap3A_366 = arith.index_cast %scan3A_337 : i32 to index
      %swap3A_367 = arith.constant 64 : index
      %swap3A_368 = tpu.vector_load %arg7[%swap3A_366, %swap3A_367] {strides = array<i32>} : memref<16x128xf32, #tpu.memory_space<vmem>>, vector<1x16xf32>,
      %swap3A_369 = vector.shape_cast %swap3A_368 : vector<1x16xf32> to vector<16xf32>
      %swap3A_370 = vector.shape_cast %broadcast_in_dim3A_365 : vector<16xf32> to vector<1x16xf32>
      tpu.vector_store %arg7[%swap3A_366, %swap3A_367], %swap3A_370 {strides = array<i32>} : memref<16x128xf32, #tpu.memory_space<vmem>>, vector<1x16xf32>,
      %broadcast_in_dim3A_371 = arith.constant 0.000000e+00 : f32
      %broadcast_in_dim3A_372 = vector.broadcast %broadcast_in_dim3A_371 : f32 to vector<16xf32>
      %swap3A_373 = arith.index_cast %scan3A_337 : i32 to index
      %swap3A_374 = arith.constant 80 : index
      %swap3A_375 = tpu.vector_load %arg7[%swap3A_373, %swap3A_374] {strides = array<i32>} : memref<16x128xf32, #tpu.memory_space<vmem>>, vector<1x16xf32>,
      %swap3A_376 = vector.shape_cast %swap3A_375 : vector<1x16xf32> to vector<16xf32>
      %swap3A_377 = vector.shape_cast %broadcast_in_dim3A_372 : vector<16xf32> to vector<1x16xf32>
      tpu.vector_store %arg7[%swap3A_373, %swap3A_374], %swap3A_377 {strides = array<i32>} : memref<16x128xf32, #tpu.memory_space<vmem>>, vector<1x16xf32>,
      %broadcast_in_dim3A_378 = arith.constant 0.000000e+00 : f32
      %broadcast_in_dim3A_379 = vector.broadcast %broadcast_in_dim3A_378 : f32 to vector<16xf32>
      %swap3A_380 = arith.index_cast %scan3A_337 : i32 to index
      %swap3A_381 = arith.constant 96 : index
      %swap3A_382 = tpu.vector_load %arg7[%swap3A_380, %swap3A_381] {strides = array<i32>} : memref<16x128xf32, #tpu.memory_space<vmem>>, vector<1x16xf32>,
      %swap3A_383 = vector.shape_cast %swap3A_382 : vector<1x16xf32> to vector<16xf32>
      %swap3A_384 = vector.shape_cast %broadcast_in_dim3A_379 : vector<16xf32> to vector<1x16xf32>
      tpu.vector_store %arg7[%swap3A_380, %swap3A_381], %swap3A_384 {strides = array<i32>} : memref<16x128xf32, #tpu.memory_space<vmem>>, vector<1x16xf32>,
      %broadcast_in_dim3A_385 = arith.constant 0.000000e+00 : f32
      %broadcast_in_dim3A_386 = vector.broadcast %broadcast_in_dim3A_385 : f32 to vector<16xf32>
      %swap3A_387 = arith.index_cast %scan3A_337 : i32 to index
      %swap3A_388 = arith.constant 112 : index
      %swap3A_389 = tpu.vector_load %arg7[%swap3A_387, %swap3A_388] {strides = array<i32>} : memref<16x128xf32, #tpu.memory_space<vmem>>, vector<1x16xf32>,
      %swap3A_390 = vector.shape_cast %swap3A_389 : vector<1x16xf32> to vector<16xf32>
      %swap3A_391 = vector.shape_cast %broadcast_in_dim3A_386 : vector<16xf32> to vector<1x16xf32>
      tpu.vector_store %arg7[%swap3A_387, %swap3A_388], %swap3A_391 {strides = array<i32>} : memref<16x128xf32, #tpu.memory_space<vmem>>, vector<1x16xf32>,
    }
    %scan3A_59 = arith.constant 16 : i32
    %mul3A = arith.constant 160 : i32
    %mul3A_60 = arith.muli %arg1, %mul3A : i32
    %add3A_61 = arith.constant 0 : i32
    %add3A_62 = arith.addi %mul3A_60, %add3A_61 : i32
    %dma_start3A = arith.constant 0 : i32
    %dma_start3A_63 = tpu.memref_slice %arg8[%add3A_62, %dma_start3A] : memref<2560x128xf32, #tpu.memory_space<vmem_shared>> -> memref<16x128xf32, #tpu.memory_space<vmem_shared>>
    %dma_start3A_64 = arith.constant 0 : i32
    %dma_start3A_65 = tpu.memref_slice %arg8[%add3A_62, %dma_start3A_64] : memref<2560x128xf32, #tpu.memory_space<vmem_shared>> -> memref<16x128xf32, #tpu.memory_space<vmem_shared>>
    tpu.enqueue_dma source(%arg7 : memref<16x128xf32, #tpu.memory_space<vmem>>) target(%dma_start3A_65 : memref<16x128xf32, #tpu.memory_space<vmem_shared>>) target_semaphore(%arg12 : memref<!tpu.dma_semaphore, #tpu.memory_space<semaphore_mem>>)
    %mul3A_66 = arith.constant 160 : i32
    %mul3A_67 = arith.muli %arg1, %mul3A_66 : i32
    %add3A_68 = arith.constant 16 : i32
    %add3A_69 = arith.addi %mul3A_67, %add3A_68 : i32
    %dma_start3A_70 = arith.constant 0 : i32
    %dma_start3A_71 = tpu.memref_slice %arg8[%add3A_69, %dma_start3A_70] : memref<2560x128xf32, #tpu.memory_space<vmem_shared>> -> memref<16x128xf32, #tpu.memory_space<vmem_shared>>
    %dma_start3A_72 = arith.constant 0 : i32
    %dma_start3A_73 = tpu.memref_slice %arg8[%add3A_69, %dma_start3A_72] : memref<2560x128xf32, #tpu.memory_space<vmem_shared>> -> memref<16x128xf32, #tpu.memory_space<vmem_shared>>
    tpu.enqueue_dma source(%arg7 : memref<16x128xf32, #tpu.memory_space<vmem>>) target(%dma_start3A_73 : memref<16x128xf32, #tpu.memory_space<vmem_shared>>) target_semaphore(%arg12 : memref<!tpu.dma_semaphore, #tpu.memory_space<semaphore_mem>>)
    %mul3A_74 = arith.constant 160 : i32
    %mul3A_75 = arith.muli %arg1, %mul3A_74 : i32
    %add3A_76 = arith.constant 32 : i32
    %add3A_77 = arith.addi %mul3A_75, %add3A_76 : i32
    %dma_start3A_78 = arith.constant 0 : i32
    %dma_start3A_79 = tpu.memref_slice %arg8[%add3A_77, %dma_start3A_78] : memref<2560x128xf32, #tpu.memory_space<vmem_shared>> -> memref<16x128xf32, #tpu.memory_space<vmem_shared>>
    %dma_start3A_80 = arith.constant 0 : i32
    %dma_start3A_81 = tpu.memref_slice %arg8[%add3A_77, %dma_start3A_80] : memref<2560x128xf32, #tpu.memory_space<vmem_shared>> -> memref<16x128xf32, #tpu.memory_space<vmem_shared>>
    tpu.enqueue_dma source(%arg7 : memref<16x128xf32, #tpu.memory_space<vmem>>) target(%dma_start3A_81 : memref<16x128xf32, #tpu.memory_space<vmem_shared>>) target_semaphore(%arg12 : memref<!tpu.dma_semaphore, #tpu.memory_space<semaphore_mem>>)
    %mul3A_82 = arith.constant 160 : i32
    %mul3A_83 = arith.muli %arg1, %mul3A_82 : i32
    %add3A_84 = arith.constant 48 : i32
    %add3A_85 = arith.addi %mul3A_83, %add3A_84 : i32
    %dma_start3A_86 = arith.constant 0 : i32
    %dma_start3A_87 = tpu.memref_slice %arg8[%add3A_85, %dma_start3A_86] : memref<2560x128xf32, #tpu.memory_space<vmem_shared>> -> memref<16x128xf32, #tpu.memory_space<vmem_shared>>
    %dma_start3A_88 = arith.constant 0 : i32
    %dma_start3A_89 = tpu.memref_slice %arg8[%add3A_85, %dma_start3A_88] : memref<2560x128xf32, #tpu.memory_space<vmem_shared>> -> memref<16x128xf32, #tpu.memory_space<vmem_shared>>
    tpu.enqueue_dma source(%arg7 : memref<16x128xf32, #tpu.memory_space<vmem>>) target(%dma_start3A_89 : memref<16x128xf32, #tpu.memory_space<vmem_shared>>) target_semaphore(%arg12 : memref<!tpu.dma_semaphore, #tpu.memory_space<semaphore_mem>>)
    %mul3A_90 = arith.constant 160 : i32
    %mul3A_91 = arith.muli %arg1, %mul3A_90 : i32
    %add3A_92 = arith.constant 64 : i32
    %add3A_93 = arith.addi %mul3A_91, %add3A_92 : i32
    %dma_start3A_94 = arith.constant 0 : i32
    %dma_start3A_95 = tpu.memref_slice %arg8[%add3A_93, %dma_start3A_94] : memref<2560x128xf32, #tpu.memory_space<vmem_shared>> -> memref<16x128xf32, #tpu.memory_space<vmem_shared>>
    %dma_start3A_96 = arith.constant 0 : i32
    %dma_start3A_97 = tpu.memref_slice %arg8[%add3A_93, %dma_start3A_96] : memref<2560x128xf32, #tpu.memory_space<vmem_shared>> -> memref<16x128xf32, #tpu.memory_space<vmem_shared>>
    tpu.enqueue_dma source(%arg7 : memref<16x128xf32, #tpu.memory_space<vmem>>) target(%dma_start3A_97 : memref<16x128xf32, #tpu.memory_space<vmem_shared>>) target_semaphore(%arg12 : memref<!tpu.dma_semaphore, #tpu.memory_space<semaphore_mem>>)
    %mul3A_98 = arith.constant 160 : i32
    %mul3A_99 = arith.muli %arg1, %mul3A_98 : i32
    %add3A_100 = arith.constant 80 : i32
    %add3A_101 = arith.addi %mul3A_99, %add3A_100 : i32
    %dma_start3A_102 = arith.constant 0 : i32
    %dma_start3A_103 = tpu.memref_slice %arg8[%add3A_101, %dma_start3A_102] : memref<2560x128xf32, #tpu.memory_space<vmem_shared>> -> memref<16x128xf32, #tpu.memory_space<vmem_shared>>
    %dma_start3A_104 = arith.constant 0 : i32
    %dma_start3A_105 = tpu.memref_slice %arg8[%add3A_101, %dma_start3A_104] : memref<2560x128xf32, #tpu.memory_space<vmem_shared>> -> memref<16x128xf32, #tpu.memory_space<vmem_shared>>
    tpu.enqueue_dma source(%arg7 : memref<16x128xf32, #tpu.memory_space<vmem>>) target(%dma_start3A_105 : memref<16x128xf32, #tpu.memory_space<vmem_shared>>) target_semaphore(%arg12 : memref<!tpu.dma_semaphore, #tpu.memory_space<semaphore_mem>>)
    %mul3A_106 = arith.constant 160 : i32
    %mul3A_107 = arith.muli %arg1, %mul3A_106 : i32
    %add3A_108 = arith.constant 96 : i32
    %add3A_109 = arith.addi %mul3A_107, %add3A_108 : i32
    %dma_start3A_110 = arith.constant 0 : i32
    %dma_start3A_111 = tpu.memref_slice %arg8[%add3A_109, %dma_start3A_110] : memref<2560x128xf32, #tpu.memory_space<vmem_shared>> -> memref<16x128xf32, #tpu.memory_space<vmem_shared>>
    %dma_start3A_112 = arith.constant 0 : i32
    %dma_start3A_113 = tpu.memref_slice %arg8[%add3A_109, %dma_start3A_112] : memref<2560x128xf32, #tpu.memory_space<vmem_shared>> -> memref<16x128xf32, #tpu.memory_space<vmem_shared>>
    tpu.enqueue_dma source(%arg7 : memref<16x128xf32, #tpu.memory_space<vmem>>) target(%dma_start3A_113 : memref<16x128xf32, #tpu.memory_space<vmem_shared>>) target_semaphore(%arg12 : memref<!tpu.dma_semaphore, #tpu.memory_space<semaphore_mem>>)
    %mul3A_114 = arith.constant 160 : i32
    %mul3A_115 = arith.muli %arg1, %mul3A_114 : i32
    %add3A_116 = arith.constant 112 : i32
    %add3A_117 = arith.addi %mul3A_115, %add3A_116 : i32
    %dma_start3A_118 = arith.constant 0 : i32
    %dma_start3A_119 = tpu.memref_slice %arg8[%add3A_117, %dma_start3A_118] : memref<2560x128xf32, #tpu.memory_space<vmem_shared>> -> memref<16x128xf32, #tpu.memory_space<vmem_shared>>
    %dma_start3A_120 = arith.constant 0 : i32
    %dma_start3A_121 = tpu.memref_slice %arg8[%add3A_117, %dma_start3A_120] : memref<2560x128xf32, #tpu.memory_space<vmem_shared>> -> memref<16x128xf32, #tpu.memory_space<vmem_shared>>
    tpu.enqueue_dma source(%arg7 : memref<16x128xf32, #tpu.memory_space<vmem>>) target(%dma_start3A_121 : memref<16x128xf32, #tpu.memory_space<vmem_shared>>) target_semaphore(%arg12 : memref<!tpu.dma_semaphore, #tpu.memory_space<semaphore_mem>>)
    %mul3A_122 = arith.constant 160 : i32
    %mul3A_123 = arith.muli %arg1, %mul3A_122 : i32
    %add3A_124 = arith.constant 128 : i32
    %add3A_125 = arith.addi %mul3A_123, %add3A_124 : i32
    %dma_start3A_126 = arith.constant 0 : i32
    %dma_start3A_127 = tpu.memref_slice %arg8[%add3A_125, %dma_start3A_126] : memref<2560x128xf32, #tpu.memory_space<vmem_shared>> -> memref<16x128xf32, #tpu.memory_space<vmem_shared>>
    %dma_start3A_128 = arith.constant 0 : i32
    %dma_start3A_129 = tpu.memref_slice %arg8[%add3A_125, %dma_start3A_128] : memref<2560x128xf32, #tpu.memory_space<vmem_shared>> -> memref<16x128xf32, #tpu.memory_space<vmem_shared>>
    tpu.enqueue_dma source(%arg7 : memref<16x128xf32, #tpu.memory_space<vmem>>) target(%dma_start3A_129 : memref<16x128xf32, #tpu.memory_space<vmem_shared>>) target_semaphore(%arg12 : memref<!tpu.dma_semaphore, #tpu.memory_space<semaphore_mem>>)
    %mul3A_130 = arith.constant 160 : i32
    %mul3A_131 = arith.muli %arg1, %mul3A_130 : i32
    %add3A_132 = arith.constant 144 : i32
    %add3A_133 = arith.addi %mul3A_131, %add3A_132 : i32
    %dma_start3A_134 = arith.constant 0 : i32
    %dma_start3A_135 = tpu.memref_slice %arg8[%add3A_133, %dma_start3A_134] : memref<2560x128xf32, #tpu.memory_space<vmem_shared>> -> memref<16x128xf32, #tpu.memory_space<vmem_shared>>
    %dma_start3A_136 = arith.constant 0 : i32
    %dma_start3A_137 = tpu.memref_slice %arg8[%add3A_133, %dma_start3A_136] : memref<2560x128xf32, #tpu.memory_space<vmem_shared>> -> memref<16x128xf32, #tpu.memory_space<vmem_shared>>
    tpu.enqueue_dma source(%arg7 : memref<16x128xf32, #tpu.memory_space<vmem>>) target(%dma_start3A_137 : memref<16x128xf32, #tpu.memory_space<vmem_shared>>) target_semaphore(%arg12 : memref<!tpu.dma_semaphore, #tpu.memory_space<semaphore_mem>>)
    %mul3A_138 = arith.constant 160 : i32
    %mul3A_139 = arith.muli %arg1, %mul3A_138 : i32
    %add3A_140 = arith.constant 0 : i32
    %add3A_141 = arith.addi %mul3A_139, %add3A_140 : i32
    %dma_wait3A = arith.constant 0 : i32
    %dma_wait3A_142 = tpu.memref_slice %arg8[%add3A_141, %dma_wait3A] : memref<2560x128xf32, #tpu.memory_space<vmem_shared>> -> memref<16x128xf32, #tpu.memory_space<vmem_shared>>
    %dma_wait3A_143 = arith.constant 0 : i32
    %dma_wait3A_144 = tpu.memref_slice %arg8[%add3A_141, %dma_wait3A_143] : memref<2560x128xf32, #tpu.memory_space<vmem_shared>> -> memref<16x128xf32, #tpu.memory_space<vmem_shared>>
    tpu.wait_dma2 semaphore(%arg12 : memref<!tpu.dma_semaphore, #tpu.memory_space<semaphore_mem>>) src(%arg7 : memref<16x128xf32, #tpu.memory_space<vmem>>) dst(%dma_wait3A_144 : memref<16x128xf32, #tpu.memory_space<vmem_shared>>)
    %mul3A_145 = arith.constant 160 : i32
    %mul3A_146 = arith.muli %arg1, %mul3A_145 : i32
    %add3A_147 = arith.constant 16 : i32
    %add3A_148 = arith.addi %mul3A_146, %add3A_147 : i32
    %dma_wait3A_149 = arith.constant 0 : i32
    %dma_wait3A_150 = tpu.memref_slice %arg8[%add3A_148, %dma_wait3A_149] : memref<2560x128xf32, #tpu.memory_space<vmem_shared>> -> memref<16x128xf32, #tpu.memory_space<vmem_shared>>
    %dma_wait3A_151 = arith.constant 0 : i32
    %dma_wait3A_152 = tpu.memref_slice %arg8[%add3A_148, %dma_wait3A_151] : memref<2560x128xf32, #tpu.memory_space<vmem_shared>> -> memref<16x128xf32, #tpu.memory_space<vmem_shared>>
    tpu.wait_dma2 semaphore(%arg12 : memref<!tpu.dma_semaphore, #tpu.memory_space<semaphore_mem>>) src(%arg7 : memref<16x128xf32, #tpu.memory_space<vmem>>) dst(%dma_wait3A_152 : memref<16x128xf32, #tpu.memory_space<vmem_shared>>)
    %mul3A_153 = arith.constant 160 : i32
    %mul3A_154 = arith.muli %arg1, %mul3A_153 : i32
    %add3A_155 = arith.constant 32 : i32
    %add3A_156 = arith.addi %mul3A_154, %add3A_155 : i32
    %dma_wait3A_157 = arith.constant 0 : i32
    %dma_wait3A_158 = tpu.memref_slice %arg8[%add3A_156, %dma_wait3A_157] : memref<2560x128xf32, #tpu.memory_space<vmem_shared>> -> memref<16x128xf32, #tpu.memory_space<vmem_shared>>
    %dma_wait3A_159 = arith.constant 0 : i32
    %dma_wait3A_160 = tpu.memref_slice %arg8[%add3A_156, %dma_wait3A_159] : memref<2560x128xf32, #tpu.memory_space<vmem_shared>> -> memref<16x128xf32, #tpu.memory_space<vmem_shared>>
    tpu.wait_dma2 semaphore(%arg12 : memref<!tpu.dma_semaphore, #tpu.memory_space<semaphore_mem>>) src(%arg7 : memref<16x128xf32, #tpu.memory_space<vmem>>) dst(%dma_wait3A_160 : memref<16x128xf32, #tpu.memory_space<vmem_shared>>)
    %mul3A_161 = arith.constant 160 : i32
    %mul3A_162 = arith.muli %arg1, %mul3A_161 : i32
    %add3A_163 = arith.constant 48 : i32
    %add3A_164 = arith.addi %mul3A_162, %add3A_163 : i32
    %dma_wait3A_165 = arith.constant 0 : i32
    %dma_wait3A_166 = tpu.memref_slice %arg8[%add3A_164, %dma_wait3A_165] : memref<2560x128xf32, #tpu.memory_space<vmem_shared>> -> memref<16x128xf32, #tpu.memory_space<vmem_shared>>
    %dma_wait3A_167 = arith.constant 0 : i32
    %dma_wait3A_168 = tpu.memref_slice %arg8[%add3A_164, %dma_wait3A_167] : memref<2560x128xf32, #tpu.memory_space<vmem_shared>> -> memref<16x128xf32, #tpu.memory_space<vmem_shared>>
    tpu.wait_dma2 semaphore(%arg12 : memref<!tpu.dma_semaphore, #tpu.memory_space<semaphore_mem>>) src(%arg7 : memref<16x128xf32, #tpu.memory_space<vmem>>) dst(%dma_wait3A_168 : memref<16x128xf32, #tpu.memory_space<vmem_shared>>)
    %mul3A_169 = arith.constant 160 : i32
    %mul3A_170 = arith.muli %arg1, %mul3A_169 : i32
    %add3A_171 = arith.constant 64 : i32
    %add3A_172 = arith.addi %mul3A_170, %add3A_171 : i32
    %dma_wait3A_173 = arith.constant 0 : i32
    %dma_wait3A_174 = tpu.memref_slice %arg8[%add3A_172, %dma_wait3A_173] : memref<2560x128xf32, #tpu.memory_space<vmem_shared>> -> memref<16x128xf32, #tpu.memory_space<vmem_shared>>
    %dma_wait3A_175 = arith.constant 0 : i32
    %dma_wait3A_176 = tpu.memref_slice %arg8[%add3A_172, %dma_wait3A_175] : memref<2560x128xf32, #tpu.memory_space<vmem_shared>> -> memref<16x128xf32, #tpu.memory_space<vmem_shared>>
    tpu.wait_dma2 semaphore(%arg12 : memref<!tpu.dma_semaphore, #tpu.memory_space<semaphore_mem>>) src(%arg7 : memref<16x128xf32, #tpu.memory_space<vmem>>) dst(%dma_wait3A_176 : memref<16x128xf32, #tpu.memory_space<vmem_shared>>)
    %mul3A_177 = arith.constant 160 : i32
    %mul3A_178 = arith.muli %arg1, %mul3A_177 : i32
    %add3A_179 = arith.constant 80 : i32
    %add3A_180 = arith.addi %mul3A_178, %add3A_179 : i32
    %dma_wait3A_181 = arith.constant 0 : i32
    %dma_wait3A_182 = tpu.memref_slice %arg8[%add3A_180, %dma_wait3A_181] : memref<2560x128xf32, #tpu.memory_space<vmem_shared>> -> memref<16x128xf32, #tpu.memory_space<vmem_shared>>
    %dma_wait3A_183 = arith.constant 0 : i32
    %dma_wait3A_184 = tpu.memref_slice %arg8[%add3A_180, %dma_wait3A_183] : memref<2560x128xf32, #tpu.memory_space<vmem_shared>> -> memref<16x128xf32, #tpu.memory_space<vmem_shared>>
    tpu.wait_dma2 semaphore(%arg12 : memref<!tpu.dma_semaphore, #tpu.memory_space<semaphore_mem>>) src(%arg7 : memref<16x128xf32, #tpu.memory_space<vmem>>) dst(%dma_wait3A_184 : memref<16x128xf32, #tpu.memory_space<vmem_shared>>)
    %mul3A_185 = arith.constant 160 : i32
    %mul3A_186 = arith.muli %arg1, %mul3A_185 : i32
    %add3A_187 = arith.constant 96 : i32
    %add3A_188 = arith.addi %mul3A_186, %add3A_187 : i32
    %dma_wait3A_189 = arith.constant 0 : i32
    %dma_wait3A_190 = tpu.memref_slice %arg8[%add3A_188, %dma_wait3A_189] : memref<2560x128xf32, #tpu.memory_space<vmem_shared>> -> memref<16x128xf32, #tpu.memory_space<vmem_shared>>
    %dma_wait3A_191 = arith.constant 0 : i32
    %dma_wait3A_192 = tpu.memref_slice %arg8[%add3A_188, %dma_wait3A_191] : memref<2560x128xf32, #tpu.memory_space<vmem_shared>> -> memref<16x128xf32, #tpu.memory_space<vmem_shared>>
    tpu.wait_dma2 semaphore(%arg12 : memref<!tpu.dma_semaphore, #tpu.memory_space<semaphore_mem>>) src(%arg7 : memref<16x128xf32, #tpu.memory_space<vmem>>) dst(%dma_wait3A_192 : memref<16x128xf32, #tpu.memory_space<vmem_shared>>)
    %mul3A_193 = arith.constant 160 : i32
    %mul3A_194 = arith.muli %arg1, %mul3A_193 : i32
    %add3A_195 = arith.constant 112 : i32
    %add3A_196 = arith.addi %mul3A_194, %add3A_195 : i32
    %dma_wait3A_197 = arith.constant 0 : i32
    %dma_wait3A_198 = tpu.memref_slice %arg8[%add3A_196, %dma_wait3A_197] : memref<2560x128xf32, #tpu.memory_space<vmem_shared>> -> memref<16x128xf32, #tpu.memory_space<vmem_shared>>
    %dma_wait3A_199 = arith.constant 0 : i32
    %dma_wait3A_200 = tpu.memref_slice %arg8[%add3A_196, %dma_wait3A_199] : memref<2560x128xf32, #tpu.memory_space<vmem_shared>> -> memref<16x128xf32, #tpu.memory_space<vmem_shared>>
    tpu.wait_dma2 semaphore(%arg12 : memref<!tpu.dma_semaphore, #tpu.memory_space<semaphore_mem>>) src(%arg7 : memref<16x128xf32, #tpu.memory_space<vmem>>) dst(%dma_wait3A_200 : memref<16x128xf32, #tpu.memory_space<vmem_shared>>)
    %mul3A_201 = arith.constant 160 : i32
    %mul3A_202 = arith.muli %arg1, %mul3A_201 : i32
    %add3A_203 = arith.constant 128 : i32
    %add3A_204 = arith.addi %mul3A_202, %add3A_203 : i32
    %dma_wait3A_205 = arith.constant 0 : i32
    %dma_wait3A_206 = tpu.memref_slice %arg8[%add3A_204, %dma_wait3A_205] : memref<2560x128xf32, #tpu.memory_space<vmem_shared>> -> memref<16x128xf32, #tpu.memory_space<vmem_shared>>
    %dma_wait3A_207 = arith.constant 0 : i32
    %dma_wait3A_208 = tpu.memref_slice %arg8[%add3A_204, %dma_wait3A_207] : memref<2560x128xf32, #tpu.memory_space<vmem_shared>> -> memref<16x128xf32, #tpu.memory_space<vmem_shared>>
    tpu.wait_dma2 semaphore(%arg12 : memref<!tpu.dma_semaphore, #tpu.memory_space<semaphore_mem>>) src(%arg7 : memref<16x128xf32, #tpu.memory_space<vmem>>) dst(%dma_wait3A_208 : memref<16x128xf32, #tpu.memory_space<vmem_shared>>)
    %mul3A_209 = arith.constant 160 : i32
    %mul3A_210 = arith.muli %arg1, %mul3A_209 : i32
    %add3A_211 = arith.constant 144 : i32
    %add3A_212 = arith.addi %mul3A_210, %add3A_211 : i32
    %dma_wait3A_213 = arith.constant 0 : i32
    %dma_wait3A_214 = tpu.memref_slice %arg8[%add3A_212, %dma_wait3A_213] : memref<2560x128xf32, #tpu.memory_space<vmem_shared>> -> memref<16x128xf32, #tpu.memory_space<vmem_shared>>
    %dma_wait3A_215 = arith.constant 0 : i32
    %dma_wait3A_216 = tpu.memref_slice %arg8[%add3A_212, %dma_wait3A_215] : memref<2560x128xf32, #tpu.memory_space<vmem_shared>> -> memref<16x128xf32, #tpu.memory_space<vmem_shared>>
    tpu.wait_dma2 semaphore(%arg12 : memref<!tpu.dma_semaphore, #tpu.memory_space<semaphore_mem>>) src(%arg7 : memref<16x128xf32, #tpu.memory_space<vmem>>) dst(%dma_wait3A_216 : memref<16x128xf32, #tpu.memory_space<vmem_shared>>)
    %barrier3A = arith.constant 0 : index
    tpu.barrier barrier_id(%barrier3A)
    %add3A_217 = arith.constant 0 : i32
    %add3A_218 = arith.addi %arg1, %add3A_217 : i32
    %lt3A_219 = arith.constant 78 : i32
    %lt3A_220 = arith.cmpi slt, %add3A_218, %lt3A_219 : i32
    %convert_element_type3A_221 = arith.extui %lt3A_220 : i1 to i32
    %cond3A_222 = arith.constant 0 : i32
    %cond3A_223 = arith.cmpi ne, %convert_element_type3A_221, %cond3A_222 : i32
    scf.if %cond3A_223 {
      %mul3A_337 = arith.constant 128 : i32
      %mul3A_338 = arith.muli %add3A_218, %mul3A_337 : i32
      %dma_wait3A_339 = arith.constant 0 : i32
      %dma_wait3A_340 = arith.constant 0 : i32
      %dma_wait3A_341 = arith.constant 0 : i32
      %dma_wait3A_342 = tpu.memref_slice %arg5[%dma_wait3A_339, %dma_wait3A_341] : memref<5x128xi32, #tpu.memory_space<vmem>> -> memref<1x128xi32, #tpu.memory_space<vmem>>
      %dma_wait3A_343 = tpu.memref_squeeze %dma_wait3A_342 : memref<1x128xi32, #tpu.memory_space<vmem>> -> memref<128xi32, #tpu.memory_space<vmem>>
      %dma_wait3A_344 = tpu.memref_slice %arg3[%mul3A_338] : memref<10000xi32, #tpu.memory_space<hbm>> -> memref<128xi32, #tpu.memory_space<hbm>>
      %dma_wait3A_345 = tpu.memref_slice %arg9[%dma_wait3A_340] : memref<5x!tpu.dma_semaphore, #tpu.memory_space<semaphore_mem>> -> memref<1x!tpu.dma_semaphore, #tpu.memory_space<semaphore_mem>>
      %dma_wait3A_346 = tpu.memref_squeeze %dma_wait3A_345 : memref<1x!tpu.dma_semaphore, #tpu.memory_space<semaphore_mem>> -> memref<!tpu.dma_semaphore, #tpu.memory_space<semaphore_mem>>
      %dma_wait3A_347 = arith.constant 0 : i32
      %dma_wait3A_348 = tpu.memref_slice %arg5[%dma_wait3A_339, %dma_wait3A_347] : memref<5x128xi32, #tpu.memory_space<vmem>> -> memref<1x128xi32, #tpu.memory_space<vmem>>
      %dma_wait3A_349 = tpu.memref_squeeze %dma_wait3A_348 : memref<1x128xi32, #tpu.memory_space<vmem>> -> memref<128xi32, #tpu.memory_space<vmem>>
      %dma_wait3A_350 = tpu.memref_slice %arg3[%mul3A_338] : memref<10000xi32, #tpu.memory_space<hbm>> -> memref<128xi32, #tpu.memory_space<hbm>>
      tpu.wait_dma2 semaphore(%dma_wait3A_346 : memref<!tpu.dma_semaphore, #tpu.memory_space<semaphore_mem>>) src(%dma_wait3A_350 : memref<128xi32, #tpu.memory_space<hbm>>) dst(%dma_wait3A_349 : memref<128xi32, #tpu.memory_space<vmem>>)
      %mul3A_351 = arith.constant 128 : i32
      %mul3A_352 = arith.muli %add3A_218, %mul3A_351 : i32
      %dma_wait3A_353 = arith.constant 0 : i32
      %dma_wait3A_354 = arith.constant 0 : i32
      %dma_wait3A_355 = arith.constant 0 : i32
      %dma_wait3A_356 = arith.constant 0 : i32
      %dma_wait3A_357 = tpu.memref_slice %arg6[%dma_wait3A_353, %dma_wait3A_355, %dma_wait3A_356] : memref<5x128x128xf32, #tpu.memory_space<vmem>> -> memref<1x128x128xf32, #tpu.memory_space<vmem>>
      %dma_wait3A_358 = tpu.memref_squeeze %dma_wait3A_357 : memref<1x128x128xf32, #tpu.memory_space<vmem>> -> memref<128x128xf32, #tpu.memory_space<vmem>>
      %dma_wait3A_359 = arith.constant 0 : i32
      %dma_wait3A_360 = tpu.memref_slice %arg2[%mul3A_352, %dma_wait3A_359] : memref<10000x128xf32, #tpu.memory_space<hbm>> -> memref<128x128xf32, #tpu.memory_space<hbm>>
      %dma_wait3A_361 = tpu.memref_slice %arg10[%dma_wait3A_354] : memref<5x!tpu.dma_semaphore, #tpu.memory_space<semaphore_mem>> -> memref<1x!tpu.dma_semaphore, #tpu.memory_space<semaphore_mem>>
      %dma_wait3A_362 = tpu.memref_squeeze %dma_wait3A_361 : memref<1x!tpu.dma_semaphore, #tpu.memory_space<semaphore_mem>> -> memref<!tpu.dma_semaphore, #tpu.memory_space<semaphore_mem>>
      %dma_wait3A_363 = arith.constant 0 : i32
      %dma_wait3A_364 = arith.constant 0 : i32
      %dma_wait3A_365 = tpu.memref_slice %arg6[%dma_wait3A_353, %dma_wait3A_363, %dma_wait3A_364] : memref<5x128x128xf32, #tpu.memory_space<vmem>> -> memref<1x128x128xf32, #tpu.memory_space<vmem>>
      %dma_wait3A_366 = tpu.memref_squeeze %dma_wait3A_365 : memref<1x128x128xf32, #tpu.memory_space<vmem>> -> memref<128x128xf32, #tpu.memory_space<vmem>>
      %dma_wait3A_367 = arith.constant 0 : i32
      %dma_wait3A_368 = tpu.memref_slice %arg2[%mul3A_352, %dma_wait3A_367] : memref<10000x128xf32, #tpu.memory_space<hbm>> -> memref<128x128xf32, #tpu.memory_space<hbm>>
      tpu.wait_dma2 semaphore(%dma_wait3A_362 : memref<!tpu.dma_semaphore, #tpu.memory_space<semaphore_mem>>) src(%dma_wait3A_368 : memref<128x128xf32, #tpu.memory_space<hbm>>) dst(%dma_wait3A_366 : memref<128x128xf32, #tpu.memory_space<vmem>>)
      %dma_start3A_369 = arith.constant 0 : i32
      %dma_start3A_370 = arith.constant 0 : i32
      %dma_start3A_371 = arith.constant 0 : i32
      %dma_start3A_372 = arith.constant 0 : i32
      %dma_start3A_373 = arith.constant 0 : i32
      %dma_start3A_374 = tpu.memref_slice %arg6[%dma_start3A_369, %dma_start3A_372, %dma_start3A_373] : memref<5x128x128xf32, #tpu.memory_space<vmem>> -> memref<1x128x128xf32, #tpu.memory_space<vmem>>
      %dma_start3A_375 = tpu.memref_squeeze %dma_start3A_374 : memref<1x128x128xf32, #tpu.memory_space<vmem>> -> memref<128x128xf32, #tpu.memory_space<vmem>>
      %dma_start3A_376 = arith.constant 0 : i32
      %dma_start3A_377 = tpu.memref_slice %arg5[%dma_start3A_370, %dma_start3A_376] : memref<5x128xi32, #tpu.memory_space<vmem>> -> memref<1x128xi32, #tpu.memory_space<vmem>>
      %dma_start3A_378 = tpu.memref_squeeze %dma_start3A_377 : memref<1x128xi32, #tpu.memory_space<vmem>> -> memref<128xi32, #tpu.memory_space<vmem>>
      %dma_start3A_379 = arith.constant 0 : i32
      %dma_start3A_380 = arith.constant 0 : i32
      %dma_start3A_381 = tpu.memref_slice %arg8[%dma_start3A_379, %dma_start3A_380] : memref<2560x128xf32, #tpu.memory_space<vmem_shared>> -> memref<2560x128xf32, #tpu.memory_space<vmem_shared>>
      %dma_start3A_382 = tpu.memref_slice %arg11[%dma_start3A_371] : memref<5x!tpu.dma_semaphore, #tpu.memory_space<semaphore_mem>> -> memref<1x!tpu.dma_semaphore, #tpu.memory_space<semaphore_mem>>
      %dma_start3A_383 = tpu.memref_squeeze %dma_start3A_382 : memref<1x!tpu.dma_semaphore, #tpu.memory_space<semaphore_mem>> -> memref<!tpu.dma_semaphore, #tpu.memory_space<semaphore_mem>>
      tpu.enqueue_indirect_dma source(%dma_start3A_375 : memref<128x128xf32, #tpu.memory_space<vmem>>) target(%dma_start3A_381 : memref<2560x128xf32, #tpu.memory_space<vmem_shared>>) offsets(%dma_start3A_378 : memref<128xi32, #tpu.memory_space<vmem>>) semaphore(%dma_start3A_383 : memref<!tpu.dma_semaphore, #tpu.memory_space<semaphore_mem>>) {add = true}
    } else {
    }
    %eq3A_224 = arith.constant 79 : i32
    %eq3A_225 = arith.cmpi eq, %add3A_218, %eq3A_224 : i32
    %convert_element_type3A_226 = arith.extui %eq3A_225 : i1 to i32
    %cond3A_227 = arith.constant 0 : i32
    %cond3A_228 = arith.cmpi ne, %convert_element_type3A_226, %cond3A_227 : i32
    scf.if %cond3A_228 {
      %dma_wait3A_337 = arith.constant 4 : i32
      %dma_wait3A_338 = arith.constant 4 : i32
      %dma_wait3A_339 = arith.constant 0 : i32
      %dma_wait3A_340 = tpu.memref_slice %arg5[%dma_wait3A_337, %dma_wait3A_339] : memref<5x128xi32, #tpu.memory_space<vmem>> -> memref<1x16xi32, #tpu.memory_space<vmem>>
      %dma_wait3A_341 = tpu.memref_squeeze %dma_wait3A_340 : memref<1x16xi32, #tpu.memory_space<vmem>> -> memref<16xi32, #tpu.memory_space<vmem>>
      %dma_wait3A_342 = arith.constant 9984 : i32
      %dma_wait3A_343 = tpu.memref_slice %arg3[%dma_wait3A_342] : memref<10000xi32, #tpu.memory_space<hbm>> -> memref<16xi32, #tpu.memory_space<hbm>>
      %dma_wait3A_344 = tpu.memref_slice %arg9[%dma_wait3A_338] : memref<5x!tpu.dma_semaphore, #tpu.memory_space<semaphore_mem>> -> memref<1x!tpu.dma_semaphore, #tpu.memory_space<semaphore_mem>>
      %dma_wait3A_345 = tpu.memref_squeeze %dma_wait3A_344 : memref<1x!tpu.dma_semaphore, #tpu.memory_space<semaphore_mem>> -> memref<!tpu.dma_semaphore, #tpu.memory_space<semaphore_mem>>
      %dma_wait3A_346 = arith.constant 0 : i32
      %dma_wait3A_347 = tpu.memref_slice %arg5[%dma_wait3A_337, %dma_wait3A_346] : memref<5x128xi32, #tpu.memory_space<vmem>> -> memref<1x16xi32, #tpu.memory_space<vmem>>
      %dma_wait3A_348 = tpu.memref_squeeze %dma_wait3A_347 : memref<1x16xi32, #tpu.memory_space<vmem>> -> memref<16xi32, #tpu.memory_space<vmem>>
      %dma_wait3A_349 = arith.constant 9984 : i32
      %dma_wait3A_350 = tpu.memref_slice %arg3[%dma_wait3A_349] : memref<10000xi32, #tpu.memory_space<hbm>> -> memref<16xi32, #tpu.memory_space<hbm>>
      tpu.wait_dma2 semaphore(%dma_wait3A_345 : memref<!tpu.dma_semaphore, #tpu.memory_space<semaphore_mem>>) src(%dma_wait3A_350 : memref<16xi32, #tpu.memory_space<hbm>>) dst(%dma_wait3A_348 : memref<16xi32, #tpu.memory_space<vmem>>)
      %dma_wait3A_351 = arith.constant 4 : i32
      %dma_wait3A_352 = arith.constant 4 : i32
      %dma_wait3A_353 = arith.constant 0 : i32
      %dma_wait3A_354 = arith.constant 0 : i32
      %dma_wait3A_355 = tpu.memref_slice %arg6[%dma_wait3A_351, %dma_wait3A_353, %dma_wait3A_354] : memref<5x128x128xf32, #tpu.memory_space<vmem>> -> memref<1x16x128xf32, #tpu.memory_space<vmem>>
      %dma_wait3A_356 = tpu.memref_squeeze %dma_wait3A_355 : memref<1x16x128xf32, #tpu.memory_space<vmem>> -> memref<16x128xf32, #tpu.memory_space<vmem>>
      %dma_wait3A_357 = arith.constant 9984 : i32
      %dma_wait3A_358 = arith.constant 0 : i32
      %dma_wait3A_359 = tpu.memref_slice %arg2[%dma_wait3A_357, %dma_wait3A_358] : memref<10000x128xf32, #tpu.memory_space<hbm>> -> memref<16x128xf32, #tpu.memory_space<hbm>>
      %dma_wait3A_360 = tpu.memref_slice %arg10[%dma_wait3A_352] : memref<5x!tpu.dma_semaphore, #tpu.memory_space<semaphore_mem>> -> memref<1x!tpu.dma_semaphore, #tpu.memory_space<semaphore_mem>>
      %dma_wait3A_361 = tpu.memref_squeeze %dma_wait3A_360 : memref<1x!tpu.dma_semaphore, #tpu.memory_space<semaphore_mem>> -> memref<!tpu.dma_semaphore, #tpu.memory_space<semaphore_mem>>
      %dma_wait3A_362 = arith.constant 0 : i32
      %dma_wait3A_363 = arith.constant 0 : i32
      %dma_wait3A_364 = tpu.memref_slice %arg6[%dma_wait3A_351, %dma_wait3A_362, %dma_wait3A_363] : memref<5x128x128xf32, #tpu.memory_space<vmem>> -> memref<1x16x128xf32, #tpu.memory_space<vmem>>
      %dma_wait3A_365 = tpu.memref_squeeze %dma_wait3A_364 : memref<1x16x128xf32, #tpu.memory_space<vmem>> -> memref<16x128xf32, #tpu.memory_space<vmem>>
      %dma_wait3A_366 = arith.constant 9984 : i32
      %dma_wait3A_367 = arith.constant 0 : i32
      %dma_wait3A_368 = tpu.memref_slice %arg2[%dma_wait3A_366, %dma_wait3A_367] : memref<10000x128xf32, #tpu.memory_space<hbm>> -> memref<16x128xf32, #tpu.memory_space<hbm>>
      tpu.wait_dma2 semaphore(%dma_wait3A_361 : memref<!tpu.dma_semaphore, #tpu.memory_space<semaphore_mem>>) src(%dma_wait3A_368 : memref<16x128xf32, #tpu.memory_space<hbm>>) dst(%dma_wait3A_365 : memref<16x128xf32, #tpu.memory_space<vmem>>)
      %broadcast_in_dim3A = arith.constant 2559 : i32
      %broadcast_in_dim3A_369 = vector.broadcast %broadcast_in_dim3A : i32 to vector<16xi32>
      %swap3A = arith.constant 4 : i32
      %swap3A_370 = arith.index_cast %swap3A : i32 to index
      %swap3A_371 = arith.constant 16 : index
      %swap3A_372 = tpu.vector_load %arg5[%swap3A_370, %swap3A_371] {strides = array<i32>} : memref<5x128xi32, #tpu.memory_space<vmem>>, vector<1x16xi32>,
      %swap3A_373 = vector.shape_cast %swap3A_372 : vector<1x16xi32> to vector<16xi32>
      %swap3A_374 = vector.shape_cast %broadcast_in_dim3A_369 : vector<16xi32> to vector<1x16xi32>
      tpu.vector_store %arg5[%swap3A_370, %swap3A_371], %swap3A_374 {strides = array<i32>} : memref<5x128xi32, #tpu.memory_space<vmem>>, vector<1x16xi32>,
      %broadcast_in_dim3A_375 = arith.constant 2559 : i32
      %broadcast_in_dim3A_376 = vector.broadcast %broadcast_in_dim3A_375 : i32 to vector<16xi32>
      %swap3A_377 = arith.constant 4 : i32
      %swap3A_378 = arith.index_cast %swap3A_377 : i32 to index
      %swap3A_379 = arith.constant 32 : index
      %swap3A_380 = tpu.vector_load %arg5[%swap3A_378, %swap3A_379] {strides = array<i32>} : memref<5x128xi32, #tpu.memory_space<vmem>>, vector<1x16xi32>,
      %swap3A_381 = vector.shape_cast %swap3A_380 : vector<1x16xi32> to vector<16xi32>
      %swap3A_382 = vector.shape_cast %broadcast_in_dim3A_376 : vector<16xi32> to vector<1x16xi32>
      tpu.vector_store %arg5[%swap3A_378, %swap3A_379], %swap3A_382 {strides = array<i32>} : memref<5x128xi32, #tpu.memory_space<vmem>>, vector<1x16xi32>,
      %broadcast_in_dim3A_383 = arith.constant 2559 : i32
      %broadcast_in_dim3A_384 = vector.broadcast %broadcast_in_dim3A_383 : i32 to vector<16xi32>
      %swap3A_385 = arith.constant 4 : i32
      %swap3A_386 = arith.index_cast %swap3A_385 : i32 to index
      %swap3A_387 = arith.constant 48 : index
      %swap3A_388 = tpu.vector_load %arg5[%swap3A_386, %swap3A_387] {strides = array<i32>} : memref<5x128xi32, #tpu.memory_space<vmem>>, vector<1x16xi32>,
      %swap3A_389 = vector.shape_cast %swap3A_388 : vector<1x16xi32> to vector<16xi32>
      %swap3A_390 = vector.shape_cast %broadcast_in_dim3A_384 : vector<16xi32> to vector<1x16xi32>
      tpu.vector_store %arg5[%swap3A_386, %swap3A_387], %swap3A_390 {strides = array<i32>} : memref<5x128xi32, #tpu.memory_space<vmem>>, vector<1x16xi32>,
      %broadcast_in_dim3A_391 = arith.constant 2559 : i32
      %broadcast_in_dim3A_392 = vector.broadcast %broadcast_in_dim3A_391 : i32 to vector<16xi32>
      %swap3A_393 = arith.constant 4 : i32
      %swap3A_394 = arith.index_cast %swap3A_393 : i32 to index
      %swap3A_395 = arith.constant 64 : index
      %swap3A_396 = tpu.vector_load %arg5[%swap3A_394, %swap3A_395] {strides = array<i32>} : memref<5x128xi32, #tpu.memory_space<vmem>>, vector<1x16xi32>,
      %swap3A_397 = vector.shape_cast %swap3A_396 : vector<1x16xi32> to vector<16xi32>
      %swap3A_398 = vector.shape_cast %broadcast_in_dim3A_392 : vector<16xi32> to vector<1x16xi32>
      tpu.vector_store %arg5[%swap3A_394, %swap3A_395], %swap3A_398 {strides = array<i32>} : memref<5x128xi32, #tpu.memory_space<vmem>>, vector<1x16xi32>,
      %broadcast_in_dim3A_399 = arith.constant 2559 : i32
      %broadcast_in_dim3A_400 = vector.broadcast %broadcast_in_dim3A_399 : i32 to vector<16xi32>
      %swap3A_401 = arith.constant 4 : i32
      %swap3A_402 = arith.index_cast %swap3A_401 : i32 to index
      %swap3A_403 = arith.constant 80 : index
      %swap3A_404 = tpu.vector_load %arg5[%swap3A_402, %swap3A_403] {strides = array<i32>} : memref<5x128xi32, #tpu.memory_space<vmem>>, vector<1x16xi32>,
      %swap3A_405 = vector.shape_cast %swap3A_404 : vector<1x16xi32> to vector<16xi32>
      %swap3A_406 = vector.shape_cast %broadcast_in_dim3A_400 : vector<16xi32> to vector<1x16xi32>
      tpu.vector_store %arg5[%swap3A_402, %swap3A_403], %swap3A_406 {strides = array<i32>} : memref<5x128xi32, #tpu.memory_space<vmem>>, vector<1x16xi32>,
      %broadcast_in_dim3A_407 = arith.constant 2559 : i32
      %broadcast_in_dim3A_408 = vector.broadcast %broadcast_in_dim3A_407 : i32 to vector<16xi32>
      %swap3A_409 = arith.constant 4 : i32
      %swap3A_410 = arith.index_cast %swap3A_409 : i32 to index
      %swap3A_411 = arith.constant 96 : index
      %swap3A_412 = tpu.vector_load %arg5[%swap3A_410, %swap3A_411] {strides = array<i32>} : memref<5x128xi32, #tpu.memory_space<vmem>>, vector<1x16xi32>,
      %swap3A_413 = vector.shape_cast %swap3A_412 : vector<1x16xi32> to vector<16xi32>
      %swap3A_414 = vector.shape_cast %broadcast_in_dim3A_408 : vector<16xi32> to vector<1x16xi32>
      tpu.vector_store %arg5[%swap3A_410, %swap3A_411], %swap3A_414 {strides = array<i32>} : memref<5x128xi32, #tpu.memory_space<vmem>>, vector<1x16xi32>,
      %broadcast_in_dim3A_415 = arith.constant 2559 : i32
      %broadcast_in_dim3A_416 = vector.broadcast %broadcast_in_dim3A_415 : i32 to vector<16xi32>
      %swap3A_417 = arith.constant 4 : i32
      %swap3A_418 = arith.index_cast %swap3A_417 : i32 to index
      %swap3A_419 = arith.constant 112 : index
      %swap3A_420 = tpu.vector_load %arg5[%swap3A_418, %swap3A_419] {strides = array<i32>} : memref<5x128xi32, #tpu.memory_space<vmem>>, vector<1x16xi32>,
      %swap3A_421 = vector.shape_cast %swap3A_420 : vector<1x16xi32> to vector<16xi32>
      %swap3A_422 = vector.shape_cast %broadcast_in_dim3A_416 : vector<16xi32> to vector<1x16xi32>
      tpu.vector_store %arg5[%swap3A_418, %swap3A_419], %swap3A_422 {strides = array<i32>} : memref<5x128xi32, #tpu.memory_space<vmem>>, vector<1x16xi32>,
      %dma_start3A_423 = arith.constant 4 : i32
      %dma_start3A_424 = arith.constant 4 : i32
      %dma_start3A_425 = arith.constant 4 : i32
      %dma_start3A_426 = arith.constant 0 : i32
      %dma_start3A_427 = arith.constant 0 : i32
      %dma_start3A_428 = tpu.memref_slice %arg6[%dma_start3A_423, %dma_start3A_426, %dma_start3A_427] : memref<5x128x128xf32, #tpu.memory_space<vmem>> -> memref<1x128x128xf32, #tpu.memory_space<vmem>>
      %dma_start3A_429 = tpu.memref_squeeze %dma_start3A_428 : memref<1x128x128xf32, #tpu.memory_space<vmem>> -> memref<128x128xf32, #tpu.memory_space<vmem>>
      %dma_start3A_430 = arith.constant 0 : i32
      %dma_start3A_431 = tpu.memref_slice %arg5[%dma_start3A_424, %dma_start3A_430] : memref<5x128xi32, #tpu.memory_space<vmem>> -> memref<1x128xi32, #tpu.memory_space<vmem>>
      %dma_start3A_432 = tpu.memref_squeeze %dma_start3A_431 : memref<1x128xi32, #tpu.memory_space<vmem>> -> memref<128xi32, #tpu.memory_space<vmem>>
      %dma_start3A_433 = arith.constant 0 : i32
      %dma_start3A_434 = arith.constant 0 : i32
      %dma_start3A_435 = tpu.memref_slice %arg8[%dma_start3A_433, %dma_start3A_434] : memref<2560x128xf32, #tpu.memory_space<vmem_shared>> -> memref<2560x128xf32, #tpu.memory_space<vmem_shared>>
      %dma_start3A_436 = tpu.memref_slice %arg11[%dma_start3A_425] : memref<5x!tpu.dma_semaphore, #tpu.memory_space<semaphore_mem>> -> memref<1x!tpu.dma_semaphore, #tpu.memory_space<semaphore_mem>>
      %dma_start3A_437 = tpu.memref_squeeze %dma_start3A_436 : memref<1x!tpu.dma_semaphore, #tpu.memory_space<semaphore_mem>> -> memref<!tpu.dma_semaphore, #tpu.memory_space<semaphore_mem>>
      tpu.enqueue_indirect_dma source(%dma_start3A_429 : memref<128x128xf32, #tpu.memory_space<vmem>>) target(%dma_start3A_435 : memref<2560x128xf32, #tpu.memory_space<vmem_shared>>) offsets(%dma_start3A_432 : memref<128xi32, #tpu.memory_space<vmem>>) semaphore(%dma_start3A_437 : memref<!tpu.dma_semaphore, #tpu.memory_space<semaphore_mem>>) {add = true}
    } else {
    }
    %add3A_229 = arith.constant 16 : i32
    %add3A_230 = arith.addi %arg1, %add3A_229 : i32
    %lt3A_231 = arith.constant 78 : i32
    %lt3A_232 = arith.cmpi slt, %add3A_230, %lt3A_231 : i32
    %convert_element_type3A_233 = arith.extui %lt3A_232 : i1 to i32
    %cond3A_234 = arith.constant 0 : i32
    %cond3A_235 = arith.cmpi ne, %convert_element_type3A_233, %cond3A_234 : i32
    scf.if %cond3A_235 {
      %mul3A_337 = arith.constant 128 : i32
      %mul3A_338 = arith.muli %add3A_230, %mul3A_337 : i32
      %dma_wait3A_339 = arith.constant 1 : i32
      %dma_wait3A_340 = arith.constant 1 : i32
      %dma_wait3A_341 = arith.constant 0 : i32
      %dma_wait3A_342 = tpu.memref_slice %arg5[%dma_wait3A_339, %dma_wait3A_341] : memref<5x128xi32, #tpu.memory_space<vmem>> -> memref<1x128xi32, #tpu.memory_space<vmem>>
      %dma_wait3A_343 = tpu.memref_squeeze %dma_wait3A_342 : memref<1x128xi32, #tpu.memory_space<vmem>> -> memref<128xi32, #tpu.memory_space<vmem>>
      %dma_wait3A_344 = tpu.memref_slice %arg3[%mul3A_338] : memref<10000xi32, #tpu.memory_space<hbm>> -> memref<128xi32, #tpu.memory_space<hbm>>
      %dma_wait3A_345 = tpu.memref_slice %arg9[%dma_wait3A_340] : memref<5x!tpu.dma_semaphore, #tpu.memory_space<semaphore_mem>> -> memref<1x!tpu.dma_semaphore, #tpu.memory_space<semaphore_mem>>
      %dma_wait3A_346 = tpu.memref_squeeze %dma_wait3A_345 : memref<1x!tpu.dma_semaphore, #tpu.memory_space<semaphore_mem>> -> memref<!tpu.dma_semaphore, #tpu.memory_space<semaphore_mem>>
      %dma_wait3A_347 = arith.constant 0 : i32
      %dma_wait3A_348 = tpu.memref_slice %arg5[%dma_wait3A_339, %dma_wait3A_347] : memref<5x128xi32, #tpu.memory_space<vmem>> -> memref<1x128xi32, #tpu.memory_space<vmem>>
      %dma_wait3A_349 = tpu.memref_squeeze %dma_wait3A_348 : memref<1x128xi32, #tpu.memory_space<vmem>> -> memref<128xi32, #tpu.memory_space<vmem>>
      %dma_wait3A_350 = tpu.memref_slice %arg3[%mul3A_338] : memref<10000xi32, #tpu.memory_space<hbm>> -> memref<128xi32, #tpu.memory_space<hbm>>
      tpu.wait_dma2 semaphore(%dma_wait3A_346 : memref<!tpu.dma_semaphore, #tpu.memory_space<semaphore_mem>>) src(%dma_wait3A_350 : memref<128xi32, #tpu.memory_space<hbm>>) dst(%dma_wait3A_349 : memref<128xi32, #tpu.memory_space<vmem>>)
      %mul3A_351 = arith.constant 128 : i32
      %mul3A_352 = arith.muli %add3A_230, %mul3A_351 : i32
      %dma_wait3A_353 = arith.constant 1 : i32
      %dma_wait3A_354 = arith.constant 1 : i32
      %dma_wait3A_355 = arith.constant 0 : i32
      %dma_wait3A_356 = arith.constant 0 : i32
      %dma_wait3A_357 = tpu.memref_slice %arg6[%dma_wait3A_353, %dma_wait3A_355, %dma_wait3A_356] : memref<5x128x128xf32, #tpu.memory_space<vmem>> -> memref<1x128x128xf32, #tpu.memory_space<vmem>>
      %dma_wait3A_358 = tpu.memref_squeeze %dma_wait3A_357 : memref<1x128x128xf32, #tpu.memory_space<vmem>> -> memref<128x128xf32, #tpu.memory_space<vmem>>
      %dma_wait3A_359 = arith.constant 0 : i32
      %dma_wait3A_360 = tpu.memref_slice %arg2[%mul3A_352, %dma_wait3A_359] : memref<10000x128xf32, #tpu.memory_space<hbm>> -> memref<128x128xf32, #tpu.memory_space<hbm>>
      %dma_wait3A_361 = tpu.memref_slice %arg10[%dma_wait3A_354] : memref<5x!tpu.dma_semaphore, #tpu.memory_space<semaphore_mem>> -> memref<1x!tpu.dma_semaphore, #tpu.memory_space<semaphore_mem>>
      %dma_wait3A_362 = tpu.memref_squeeze %dma_wait3A_361 : memref<1x!tpu.dma_semaphore, #tpu.memory_space<semaphore_mem>> -> memref<!tpu.dma_semaphore, #tpu.memory_space<semaphore_mem>>
      %dma_wait3A_363 = arith.constant 0 : i32
      %dma_wait3A_364 = arith.constant 0 : i32
      %dma_wait3A_365 = tpu.memref_slice %arg6[%dma_wait3A_353, %dma_wait3A_363, %dma_wait3A_364] : memref<5x128x128xf32, #tpu.memory_space<vmem>> -> memref<1x128x128xf32, #tpu.memory_space<vmem>>
      %dma_wait3A_366 = tpu.memref_squeeze %dma_wait3A_365 : memref<1x128x128xf32, #tpu.memory_space<vmem>> -> memref<128x128xf32, #tpu.memory_space<vmem>>
      %dma_wait3A_367 = arith.constant 0 : i32
      %dma_wait3A_368 = tpu.memref_slice %arg2[%mul3A_352, %dma_wait3A_367] : memref<10000x128xf32, #tpu.memory_space<hbm>> -> memref<128x128xf32, #tpu.memory_space<hbm>>
      tpu.wait_dma2 semaphore(%dma_wait3A_362 : memref<!tpu.dma_semaphore, #tpu.memory_space<semaphore_mem>>) src(%dma_wait3A_368 : memref<128x128xf32, #tpu.memory_space<hbm>>) dst(%dma_wait3A_366 : memref<128x128xf32, #tpu.memory_space<vmem>>)
      %dma_start3A_369 = arith.constant 1 : i32
      %dma_start3A_370 = arith.constant 1 : i32
      %dma_start3A_371 = arith.constant 1 : i32
      %dma_start3A_372 = arith.constant 0 : i32
      %dma_start3A_373 = arith.constant 0 : i32
      %dma_start3A_374 = tpu.memref_slice %arg6[%dma_start3A_369, %dma_start3A_372, %dma_start3A_373] : memref<5x128x128xf32, #tpu.memory_space<vmem>> -> memref<1x128x128xf32, #tpu.memory_space<vmem>>
      %dma_start3A_375 = tpu.memref_squeeze %dma_start3A_374 : memref<1x128x128xf32, #tpu.memory_space<vmem>> -> memref<128x128xf32, #tpu.memory_space<vmem>>
      %dma_start3A_376 = arith.constant 0 : i32
      %dma_start3A_377 = tpu.memref_slice %arg5[%dma_start3A_370, %dma_start3A_376] : memref<5x128xi32, #tpu.memory_space<vmem>> -> memref<1x128xi32, #tpu.memory_space<vmem>>
      %dma_start3A_378 = tpu.memref_squeeze %dma_start3A_377 : memref<1x128xi32, #tpu.memory_space<vmem>> -> memref<128xi32, #tpu.memory_space<vmem>>
      %dma_start3A_379 = arith.constant 0 : i32
      %dma_start3A_380 = arith.constant 0 : i32
      %dma_start3A_381 = tpu.memref_slice %arg8[%dma_start3A_379, %dma_start3A_380] : memref<2560x128xf32, #tpu.memory_space<vmem_shared>> -> memref<2560x128xf32, #tpu.memory_space<vmem_shared>>
      %dma_start3A_382 = tpu.memref_slice %arg11[%dma_start3A_371] : memref<5x!tpu.dma_semaphore, #tpu.memory_space<semaphore_mem>> -> memref<1x!tpu.dma_semaphore, #tpu.memory_space<semaphore_mem>>
      %dma_start3A_383 = tpu.memref_squeeze %dma_start3A_382 : memref<1x!tpu.dma_semaphore, #tpu.memory_space<semaphore_mem>> -> memref<!tpu.dma_semaphore, #tpu.memory_space<semaphore_mem>>
      tpu.enqueue_indirect_dma source(%dma_start3A_375 : memref<128x128xf32, #tpu.memory_space<vmem>>) target(%dma_start3A_381 : memref<2560x128xf32, #tpu.memory_space<vmem_shared>>) offsets(%dma_start3A_378 : memref<128xi32, #tpu.memory_space<vmem>>) semaphore(%dma_start3A_383 : memref<!tpu.dma_semaphore, #tpu.memory_space<semaphore_mem>>) {add = true}
    } else {
    }
    %eq3A_236 = arith.constant 79 : i32
    %eq3A_237 = arith.cmpi eq, %add3A_230, %eq3A_236 : i32
    %convert_element_type3A_238 = arith.extui %eq3A_237 : i1 to i32
    %cond3A_239 = arith.constant 0 : i32
    %cond3A_240 = arith.cmpi ne, %convert_element_type3A_238, %cond3A_239 : i32
    scf.if %cond3A_240 {
      %dma_wait3A_337 = arith.constant 4 : i32
      %dma_wait3A_338 = arith.constant 4 : i32
      %dma_wait3A_339 = arith.constant 0 : i32
      %dma_wait3A_340 = tpu.memref_slice %arg5[%dma_wait3A_337, %dma_wait3A_339] : memref<5x128xi32, #tpu.memory_space<vmem>> -> memref<1x16xi32, #tpu.memory_space<vmem>>
      %dma_wait3A_341 = tpu.memref_squeeze %dma_wait3A_340 : memref<1x16xi32, #tpu.memory_space<vmem>> -> memref<16xi32, #tpu.memory_space<vmem>>
      %dma_wait3A_342 = arith.constant 9984 : i32
      %dma_wait3A_343 = tpu.memref_slice %arg3[%dma_wait3A_342] : memref<10000xi32, #tpu.memory_space<hbm>> -> memref<16xi32, #tpu.memory_space<hbm>>
      %dma_wait3A_344 = tpu.memref_slice %arg9[%dma_wait3A_338] : memref<5x!tpu.dma_semaphore, #tpu.memory_space<semaphore_mem>> -> memref<1x!tpu.dma_semaphore, #tpu.memory_space<semaphore_mem>>
      %dma_wait3A_345 = tpu.memref_squeeze %dma_wait3A_344 : memref<1x!tpu.dma_semaphore, #tpu.memory_space<semaphore_mem>> -> memref<!tpu.dma_semaphore, #tpu.memory_space<semaphore_mem>>
      %dma_wait3A_346 = arith.constant 0 : i32
      %dma_wait3A_347 = tpu.memref_slice %arg5[%dma_wait3A_337, %dma_wait3A_346] : memref<5x128xi32, #tpu.memory_space<vmem>> -> memref<1x16xi32, #tpu.memory_space<vmem>>
      %dma_wait3A_348 = tpu.memref_squeeze %dma_wait3A_347 : memref<1x16xi32, #tpu.memory_space<vmem>> -> memref<16xi32, #tpu.memory_space<vmem>>
      %dma_wait3A_349 = arith.constant 9984 : i32
      %dma_wait3A_350 = tpu.memref_slice %arg3[%dma_wait3A_349] : memref<10000xi32, #tpu.memory_space<hbm>> -> memref<16xi32, #tpu.memory_space<hbm>>
      tpu.wait_dma2 semaphore(%dma_wait3A_345 : memref<!tpu.dma_semaphore, #tpu.memory_space<semaphore_mem>>) src(%dma_wait3A_350 : memref<16xi32, #tpu.memory_space<hbm>>) dst(%dma_wait3A_348 : memref<16xi32, #tpu.memory_space<vmem>>)
      %dma_wait3A_351 = arith.constant 4 : i32
      %dma_wait3A_352 = arith.constant 4 : i32
      %dma_wait3A_353 = arith.constant 0 : i32
      %dma_wait3A_354 = arith.constant 0 : i32
      %dma_wait3A_355 = tpu.memref_slice %arg6[%dma_wait3A_351, %dma_wait3A_353, %dma_wait3A_354] : memref<5x128x128xf32, #tpu.memory_space<vmem>> -> memref<1x16x128xf32, #tpu.memory_space<vmem>>
      %dma_wait3A_356 = tpu.memref_squeeze %dma_wait3A_355 : memref<1x16x128xf32, #tpu.memory_space<vmem>> -> memref<16x128xf32, #tpu.memory_space<vmem>>
      %dma_wait3A_357 = arith.constant 9984 : i32
      %dma_wait3A_358 = arith.constant 0 : i32
      %dma_wait3A_359 = tpu.memref_slice %arg2[%dma_wait3A_357, %dma_wait3A_358] : memref<10000x128xf32, #tpu.memory_space<hbm>> -> memref<16x128xf32, #tpu.memory_space<hbm>>
      %dma_wait3A_360 = tpu.memref_slice %arg10[%dma_wait3A_352] : memref<5x!tpu.dma_semaphore, #tpu.memory_space<semaphore_mem>> -> memref<1x!tpu.dma_semaphore, #tpu.memory_space<semaphore_mem>>
      %dma_wait3A_361 = tpu.memref_squeeze %dma_wait3A_360 : memref<1x!tpu.dma_semaphore, #tpu.memory_space<semaphore_mem>> -> memref<!tpu.dma_semaphore, #tpu.memory_space<semaphore_mem>>
      %dma_wait3A_362 = arith.constant 0 : i32
      %dma_wait3A_363 = arith.constant 0 : i32
      %dma_wait3A_364 = tpu.memref_slice %arg6[%dma_wait3A_351, %dma_wait3A_362, %dma_wait3A_363] : memref<5x128x128xf32, #tpu.memory_space<vmem>> -> memref<1x16x128xf32, #tpu.memory_space<vmem>>
      %dma_wait3A_365 = tpu.memref_squeeze %dma_wait3A_364 : memref<1x16x128xf32, #tpu.memory_space<vmem>> -> memref<16x128xf32, #tpu.memory_space<vmem>>
      %dma_wait3A_366 = arith.constant 9984 : i32
      %dma_wait3A_367 = arith.constant 0 : i32
      %dma_wait3A_368 = tpu.memref_slice %arg2[%dma_wait3A_366, %dma_wait3A_367] : memref<10000x128xf32, #tpu.memory_space<hbm>> -> memref<16x128xf32, #tpu.memory_space<hbm>>
      tpu.wait_dma2 semaphore(%dma_wait3A_361 : memref<!tpu.dma_semaphore, #tpu.memory_space<semaphore_mem>>) src(%dma_wait3A_368 : memref<16x128xf32, #tpu.memory_space<hbm>>) dst(%dma_wait3A_365 : memref<16x128xf32, #tpu.memory_space<vmem>>)
      %broadcast_in_dim3A = arith.constant 2559 : i32
      %broadcast_in_dim3A_369 = vector.broadcast %broadcast_in_dim3A : i32 to vector<16xi32>
      %swap3A = arith.constant 4 : i32
      %swap3A_370 = arith.index_cast %swap3A : i32 to index
      %swap3A_371 = arith.constant 16 : index
      %swap3A_372 = tpu.vector_load %arg5[%swap3A_370, %swap3A_371] {strides = array<i32>} : memref<5x128xi32, #tpu.memory_space<vmem>>, vector<1x16xi32>,
      %swap3A_373 = vector.shape_cast %swap3A_372 : vector<1x16xi32> to vector<16xi32>
      %swap3A_374 = vector.shape_cast %broadcast_in_dim3A_369 : vector<16xi32> to vector<1x16xi32>
      tpu.vector_store %arg5[%swap3A_370, %swap3A_371], %swap3A_374 {strides = array<i32>} : memref<5x128xi32, #tpu.memory_space<vmem>>, vector<1x16xi32>,
      %broadcast_in_dim3A_375 = arith.constant 2559 : i32
      %broadcast_in_dim3A_376 = vector.broadcast %broadcast_in_dim3A_375 : i32 to vector<16xi32>
      %swap3A_377 = arith.constant 4 : i32
      %swap3A_378 = arith.index_cast %swap3A_377 : i32 to index
      %swap3A_379 = arith.constant 32 : index
      %swap3A_380 = tpu.vector_load %arg5[%swap3A_378, %swap3A_379] {strides = array<i32>} : memref<5x128xi32, #tpu.memory_space<vmem>>, vector<1x16xi32>,
      %swap3A_381 = vector.shape_cast %swap3A_380 : vector<1x16xi32> to vector<16xi32>
      %swap3A_382 = vector.shape_cast %broadcast_in_dim3A_376 : vector<16xi32> to vector<1x16xi32>
      tpu.vector_store %arg5[%swap3A_378, %swap3A_379], %swap3A_382 {strides = array<i32>} : memref<5x128xi32, #tpu.memory_space<vmem>>, vector<1x16xi32>,
      %broadcast_in_dim3A_383 = arith.constant 2559 : i32
      %broadcast_in_dim3A_384 = vector.broadcast %broadcast_in_dim3A_383 : i32 to vector<16xi32>
      %swap3A_385 = arith.constant 4 : i32
      %swap3A_386 = arith.index_cast %swap3A_385 : i32 to index
      %swap3A_387 = arith.constant 48 : index
      %swap3A_388 = tpu.vector_load %arg5[%swap3A_386, %swap3A_387] {strides = array<i32>} : memref<5x128xi32, #tpu.memory_space<vmem>>, vector<1x16xi32>,
      %swap3A_389 = vector.shape_cast %swap3A_388 : vector<1x16xi32> to vector<16xi32>
      %swap3A_390 = vector.shape_cast %broadcast_in_dim3A_384 : vector<16xi32> to vector<1x16xi32>
      tpu.vector_store %arg5[%swap3A_386, %swap3A_387], %swap3A_390 {strides = array<i32>} : memref<5x128xi32, #tpu.memory_space<vmem>>, vector<1x16xi32>,
      %broadcast_in_dim3A_391 = arith.constant 2559 : i32
      %broadcast_in_dim3A_392 = vector.broadcast %broadcast_in_dim3A_391 : i32 to vector<16xi32>
      %swap3A_393 = arith.constant 4 : i32
      %swap3A_394 = arith.index_cast %swap3A_393 : i32 to index
      %swap3A_395 = arith.constant 64 : index
      %swap3A_396 = tpu.vector_load %arg5[%swap3A_394, %swap3A_395] {strides = array<i32>} : memref<5x128xi32, #tpu.memory_space<vmem>>, vector<1x16xi32>,
      %swap3A_397 = vector.shape_cast %swap3A_396 : vector<1x16xi32> to vector<16xi32>
      %swap3A_398 = vector.shape_cast %broadcast_in_dim3A_392 : vector<16xi32> to vector<1x16xi32>
      tpu.vector_store %arg5[%swap3A_394, %swap3A_395], %swap3A_398 {strides = array<i32>} : memref<5x128xi32, #tpu.memory_space<vmem>>, vector<1x16xi32>,
      %broadcast_in_dim3A_399 = arith.constant 2559 : i32
      %broadcast_in_dim3A_400 = vector.broadcast %broadcast_in_dim3A_399 : i32 to vector<16xi32>
      %swap3A_401 = arith.constant 4 : i32
      %swap3A_402 = arith.index_cast %swap3A_401 : i32 to index
      %swap3A_403 = arith.constant 80 : index
      %swap3A_404 = tpu.vector_load %arg5[%swap3A_402, %swap3A_403] {strides = array<i32>} : memref<5x128xi32, #tpu.memory_space<vmem>>, vector<1x16xi32>,
      %swap3A_405 = vector.shape_cast %swap3A_404 : vector<1x16xi32> to vector<16xi32>
      %swap3A_406 = vector.shape_cast %broadcast_in_dim3A_400 : vector<16xi32> to vector<1x16xi32>
      tpu.vector_store %arg5[%swap3A_402, %swap3A_403], %swap3A_406 {strides = array<i32>} : memref<5x128xi32, #tpu.memory_space<vmem>>, vector<1x16xi32>,
      %broadcast_in_dim3A_407 = arith.constant 2559 : i32
      %broadcast_in_dim3A_408 = vector.broadcast %broadcast_in_dim3A_407 : i32 to vector<16xi32>
      %swap3A_409 = arith.constant 4 : i32
      %swap3A_410 = arith.index_cast %swap3A_409 : i32 to index
      %swap3A_411 = arith.constant 96 : index
      %swap3A_412 = tpu.vector_load %arg5[%swap3A_410, %swap3A_411] {strides = array<i32>} : memref<5x128xi32, #tpu.memory_space<vmem>>, vector<1x16xi32>,
      %swap3A_413 = vector.shape_cast %swap3A_412 : vector<1x16xi32> to vector<16xi32>
      %swap3A_414 = vector.shape_cast %broadcast_in_dim3A_408 : vector<16xi32> to vector<1x16xi32>
      tpu.vector_store %arg5[%swap3A_410, %swap3A_411], %swap3A_414 {strides = array<i32>} : memref<5x128xi32, #tpu.memory_space<vmem>>, vector<1x16xi32>,
      %broadcast_in_dim3A_415 = arith.constant 2559 : i32
      %broadcast_in_dim3A_416 = vector.broadcast %broadcast_in_dim3A_415 : i32 to vector<16xi32>
      %swap3A_417 = arith.constant 4 : i32
      %swap3A_418 = arith.index_cast %swap3A_417 : i32 to index
      %swap3A_419 = arith.constant 112 : index
      %swap3A_420 = tpu.vector_load %arg5[%swap3A_418, %swap3A_419] {strides = array<i32>} : memref<5x128xi32, #tpu.memory_space<vmem>>, vector<1x16xi32>,
      %swap3A_421 = vector.shape_cast %swap3A_420 : vector<1x16xi32> to vector<16xi32>
      %swap3A_422 = vector.shape_cast %broadcast_in_dim3A_416 : vector<16xi32> to vector<1x16xi32>
      tpu.vector_store %arg5[%swap3A_418, %swap3A_419], %swap3A_422 {strides = array<i32>} : memref<5x128xi32, #tpu.memory_space<vmem>>, vector<1x16xi32>,
      %dma_start3A_423 = arith.constant 4 : i32
      %dma_start3A_424 = arith.constant 4 : i32
      %dma_start3A_425 = arith.constant 4 : i32
      %dma_start3A_426 = arith.constant 0 : i32
      %dma_start3A_427 = arith.constant 0 : i32
      %dma_start3A_428 = tpu.memref_slice %arg6[%dma_start3A_423, %dma_start3A_426, %dma_start3A_427] : memref<5x128x128xf32, #tpu.memory_space<vmem>> -> memref<1x128x128xf32, #tpu.memory_space<vmem>>
      %dma_start3A_429 = tpu.memref_squeeze %dma_start3A_428 : memref<1x128x128xf32, #tpu.memory_space<vmem>> -> memref<128x128xf32, #tpu.memory_space<vmem>>
      %dma_start3A_430 = arith.constant 0 : i32
      %dma_start3A_431 = tpu.memref_slice %arg5[%dma_start3A_424, %dma_start3A_430] : memref<5x128xi32, #tpu.memory_space<vmem>> -> memref<1x128xi32, #tpu.memory_space<vmem>>
      %dma_start3A_432 = tpu.memref_squeeze %dma_start3A_431 : memref<1x128xi32, #tpu.memory_space<vmem>> -> memref<128xi32, #tpu.memory_space<vmem>>
      %dma_start3A_433 = arith.constant 0 : i32
      %dma_start3A_434 = arith.constant 0 : i32
      %dma_start3A_435 = tpu.memref_slice %arg8[%dma_start3A_433, %dma_start3A_434] : memref<2560x128xf32, #tpu.memory_space<vmem_shared>> -> memref<2560x128xf32, #tpu.memory_space<vmem_shared>>
      %dma_start3A_436 = tpu.memref_slice %arg11[%dma_start3A_425] : memref<5x!tpu.dma_semaphore, #tpu.memory_space<semaphore_mem>> -> memref<1x!tpu.dma_semaphore, #tpu.memory_space<semaphore_mem>>
      %dma_start3A_437 = tpu.memref_squeeze %dma_start3A_436 : memref<1x!tpu.dma_semaphore, #tpu.memory_space<semaphore_mem>> -> memref<!tpu.dma_semaphore, #tpu.memory_space<semaphore_mem>>
      tpu.enqueue_indirect_dma source(%dma_start3A_429 : memref<128x128xf32, #tpu.memory_space<vmem>>) target(%dma_start3A_435 : memref<2560x128xf32, #tpu.memory_space<vmem_shared>>) offsets(%dma_start3A_432 : memref<128xi32, #tpu.memory_space<vmem>>) semaphore(%dma_start3A_437 : memref<!tpu.dma_semaphore, #tpu.memory_space<semaphore_mem>>) {add = true}
    } else {
    }
    %add3A_241 = arith.constant 32 : i32
    %add3A_242 = arith.addi %arg1, %add3A_241 : i32
    %lt3A_243 = arith.constant 78 : i32
    %lt3A_244 = arith.cmpi slt, %add3A_242, %lt3A_243 : i32
    %convert_element_type3A_245 = arith.extui %lt3A_244 : i1 to i32
    %cond3A_246 = arith.constant 0 : i32
    %cond3A_247 = arith.cmpi ne, %convert_element_type3A_245, %cond3A_246 : i32
    scf.if %cond3A_247 {
      %mul3A_337 = arith.constant 128 : i32
      %mul3A_338 = arith.muli %add3A_242, %mul3A_337 : i32
      %dma_wait3A_339 = arith.constant 2 : i32
      %dma_wait3A_340 = arith.constant 2 : i32
      %dma_wait3A_341 = arith.constant 0 : i32
      %dma_wait3A_342 = tpu.memref_slice %arg5[%dma_wait3A_339, %dma_wait3A_341] : memref<5x128xi32, #tpu.memory_space<vmem>> -> memref<1x128xi32, #tpu.memory_space<vmem>>
      %dma_wait3A_343 = tpu.memref_squeeze %dma_wait3A_342 : memref<1x128xi32, #tpu.memory_space<vmem>> -> memref<128xi32, #tpu.memory_space<vmem>>
      %dma_wait3A_344 = tpu.memref_slice %arg3[%mul3A_338] : memref<10000xi32, #tpu.memory_space<hbm>> -> memref<128xi32, #tpu.memory_space<hbm>>
      %dma_wait3A_345 = tpu.memref_slice %arg9[%dma_wait3A_340] : memref<5x!tpu.dma_semaphore, #tpu.memory_space<semaphore_mem>> -> memref<1x!tpu.dma_semaphore, #tpu.memory_space<semaphore_mem>>
      %dma_wait3A_346 = tpu.memref_squeeze %dma_wait3A_345 : memref<1x!tpu.dma_semaphore, #tpu.memory_space<semaphore_mem>> -> memref<!tpu.dma_semaphore, #tpu.memory_space<semaphore_mem>>
      %dma_wait3A_347 = arith.constant 0 : i32
      %dma_wait3A_348 = tpu.memref_slice %arg5[%dma_wait3A_339, %dma_wait3A_347] : memref<5x128xi32, #tpu.memory_space<vmem>> -> memref<1x128xi32, #tpu.memory_space<vmem>>
      %dma_wait3A_349 = tpu.memref_squeeze %dma_wait3A_348 : memref<1x128xi32, #tpu.memory_space<vmem>> -> memref<128xi32, #tpu.memory_space<vmem>>
      %dma_wait3A_350 = tpu.memref_slice %arg3[%mul3A_338] : memref<10000xi32, #tpu.memory_space<hbm>> -> memref<128xi32, #tpu.memory_space<hbm>>
      tpu.wait_dma2 semaphore(%dma_wait3A_346 : memref<!tpu.dma_semaphore, #tpu.memory_space<semaphore_mem>>) src(%dma_wait3A_350 : memref<128xi32, #tpu.memory_space<hbm>>) dst(%dma_wait3A_349 : memref<128xi32, #tpu.memory_space<vmem>>)
      %mul3A_351 = arith.constant 128 : i32
      %mul3A_352 = arith.muli %add3A_242, %mul3A_351 : i32
      %dma_wait3A_353 = arith.constant 2 : i32
      %dma_wait3A_354 = arith.constant 2 : i32
      %dma_wait3A_355 = arith.constant 0 : i32
      %dma_wait3A_356 = arith.constant 0 : i32
      %dma_wait3A_357 = tpu.memref_slice %arg6[%dma_wait3A_353, %dma_wait3A_355, %dma_wait3A_356] : memref<5x128x128xf32, #tpu.memory_space<vmem>> -> memref<1x128x128xf32, #tpu.memory_space<vmem>>
      %dma_wait3A_358 = tpu.memref_squeeze %dma_wait3A_357 : memref<1x128x128xf32, #tpu.memory_space<vmem>> -> memref<128x128xf32, #tpu.memory_space<vmem>>
      %dma_wait3A_359 = arith.constant 0 : i32
      %dma_wait3A_360 = tpu.memref_slice %arg2[%mul3A_352, %dma_wait3A_359] : memref<10000x128xf32, #tpu.memory_space<hbm>> -> memref<128x128xf32, #tpu.memory_space<hbm>>
      %dma_wait3A_361 = tpu.memref_slice %arg10[%dma_wait3A_354] : memref<5x!tpu.dma_semaphore, #tpu.memory_space<semaphore_mem>> -> memref<1x!tpu.dma_semaphore, #tpu.memory_space<semaphore_mem>>
      %dma_wait3A_362 = tpu.memref_squeeze %dma_wait3A_361 : memref<1x!tpu.dma_semaphore, #tpu.memory_space<semaphore_mem>> -> memref<!tpu.dma_semaphore, #tpu.memory_space<semaphore_mem>>
      %dma_wait3A_363 = arith.constant 0 : i32
      %dma_wait3A_364 = arith.constant 0 : i32
      %dma_wait3A_365 = tpu.memref_slice %arg6[%dma_wait3A_353, %dma_wait3A_363, %dma_wait3A_364] : memref<5x128x128xf32, #tpu.memory_space<vmem>> -> memref<1x128x128xf32, #tpu.memory_space<vmem>>
      %dma_wait3A_366 = tpu.memref_squeeze %dma_wait3A_365 : memref<1x128x128xf32, #tpu.memory_space<vmem>> -> memref<128x128xf32, #tpu.memory_space<vmem>>
      %dma_wait3A_367 = arith.constant 0 : i32
      %dma_wait3A_368 = tpu.memref_slice %arg2[%mul3A_352, %dma_wait3A_367] : memref<10000x128xf32, #tpu.memory_space<hbm>> -> memref<128x128xf32, #tpu.memory_space<hbm>>
      tpu.wait_dma2 semaphore(%dma_wait3A_362 : memref<!tpu.dma_semaphore, #tpu.memory_space<semaphore_mem>>) src(%dma_wait3A_368 : memref<128x128xf32, #tpu.memory_space<hbm>>) dst(%dma_wait3A_366 : memref<128x128xf32, #tpu.memory_space<vmem>>)
      %dma_start3A_369 = arith.constant 2 : i32
      %dma_start3A_370 = arith.constant 2 : i32
      %dma_start3A_371 = arith.constant 2 : i32
      %dma_start3A_372 = arith.constant 0 : i32
      %dma_start3A_373 = arith.constant 0 : i32
      %dma_start3A_374 = tpu.memref_slice %arg6[%dma_start3A_369, %dma_start3A_372, %dma_start3A_373] : memref<5x128x128xf32, #tpu.memory_space<vmem>> -> memref<1x128x128xf32, #tpu.memory_space<vmem>>
      %dma_start3A_375 = tpu.memref_squeeze %dma_start3A_374 : memref<1x128x128xf32, #tpu.memory_space<vmem>> -> memref<128x128xf32, #tpu.memory_space<vmem>>
      %dma_start3A_376 = arith.constant 0 : i32
      %dma_start3A_377 = tpu.memref_slice %arg5[%dma_start3A_370, %dma_start3A_376] : memref<5x128xi32, #tpu.memory_space<vmem>> -> memref<1x128xi32, #tpu.memory_space<vmem>>
      %dma_start3A_378 = tpu.memref_squeeze %dma_start3A_377 : memref<1x128xi32, #tpu.memory_space<vmem>> -> memref<128xi32, #tpu.memory_space<vmem>>
      %dma_start3A_379 = arith.constant 0 : i32
      %dma_start3A_380 = arith.constant 0 : i32
      %dma_start3A_381 = tpu.memref_slice %arg8[%dma_start3A_379, %dma_start3A_380] : memref<2560x128xf32, #tpu.memory_space<vmem_shared>> -> memref<2560x128xf32, #tpu.memory_space<vmem_shared>>
      %dma_start3A_382 = tpu.memref_slice %arg11[%dma_start3A_371] : memref<5x!tpu.dma_semaphore, #tpu.memory_space<semaphore_mem>> -> memref<1x!tpu.dma_semaphore, #tpu.memory_space<semaphore_mem>>
      %dma_start3A_383 = tpu.memref_squeeze %dma_start3A_382 : memref<1x!tpu.dma_semaphore, #tpu.memory_space<semaphore_mem>> -> memref<!tpu.dma_semaphore, #tpu.memory_space<semaphore_mem>>
      tpu.enqueue_indirect_dma source(%dma_start3A_375 : memref<128x128xf32, #tpu.memory_space<vmem>>) target(%dma_start3A_381 : memref<2560x128xf32, #tpu.memory_space<vmem_shared>>) offsets(%dma_start3A_378 : memref<128xi32, #tpu.memory_space<vmem>>) semaphore(%dma_start3A_383 : memref<!tpu.dma_semaphore, #tpu.memory_space<semaphore_mem>>) {add = true}
    } else {
    }
    %eq3A_248 = arith.constant 79 : i32
    %eq3A_249 = arith.cmpi eq, %add3A_242, %eq3A_248 : i32
    %convert_element_type3A_250 = arith.extui %eq3A_249 : i1 to i32
    %cond3A_251 = arith.constant 0 : i32
    %cond3A_252 = arith.cmpi ne, %convert_element_type3A_250, %cond3A_251 : i32
    scf.if %cond3A_252 {
      %dma_wait3A_337 = arith.constant 4 : i32
      %dma_wait3A_338 = arith.constant 4 : i32
      %dma_wait3A_339 = arith.constant 0 : i32
      %dma_wait3A_340 = tpu.memref_slice %arg5[%dma_wait3A_337, %dma_wait3A_339] : memref<5x128xi32, #tpu.memory_space<vmem>> -> memref<1x16xi32, #tpu.memory_space<vmem>>
      %dma_wait3A_341 = tpu.memref_squeeze %dma_wait3A_340 : memref<1x16xi32, #tpu.memory_space<vmem>> -> memref<16xi32, #tpu.memory_space<vmem>>
      %dma_wait3A_342 = arith.constant 9984 : i32
      %dma_wait3A_343 = tpu.memref_slice %arg3[%dma_wait3A_342] : memref<10000xi32, #tpu.memory_space<hbm>> -> memref<16xi32, #tpu.memory_space<hbm>>
      %dma_wait3A_344 = tpu.memref_slice %arg9[%dma_wait3A_338] : memref<5x!tpu.dma_semaphore, #tpu.memory_space<semaphore_mem>> -> memref<1x!tpu.dma_semaphore, #tpu.memory_space<semaphore_mem>>
      %dma_wait3A_345 = tpu.memref_squeeze %dma_wait3A_344 : memref<1x!tpu.dma_semaphore, #tpu.memory_space<semaphore_mem>> -> memref<!tpu.dma_semaphore, #tpu.memory_space<semaphore_mem>>
      %dma_wait3A_346 = arith.constant 0 : i32
      %dma_wait3A_347 = tpu.memref_slice %arg5[%dma_wait3A_337, %dma_wait3A_346] : memref<5x128xi32, #tpu.memory_space<vmem>> -> memref<1x16xi32, #tpu.memory_space<vmem>>
      %dma_wait3A_348 = tpu.memref_squeeze %dma_wait3A_347 : memref<1x16xi32, #tpu.memory_space<vmem>> -> memref<16xi32, #tpu.memory_space<vmem>>
      %dma_wait3A_349 = arith.constant 9984 : i32
      %dma_wait3A_350 = tpu.memref_slice %arg3[%dma_wait3A_349] : memref<10000xi32, #tpu.memory_space<hbm>> -> memref<16xi32, #tpu.memory_space<hbm>>
      tpu.wait_dma2 semaphore(%dma_wait3A_345 : memref<!tpu.dma_semaphore, #tpu.memory_space<semaphore_mem>>) src(%dma_wait3A_350 : memref<16xi32, #tpu.memory_space<hbm>>) dst(%dma_wait3A_348 : memref<16xi32, #tpu.memory_space<vmem>>)
      %dma_wait3A_351 = arith.constant 4 : i32
      %dma_wait3A_352 = arith.constant 4 : i32
      %dma_wait3A_353 = arith.constant 0 : i32
      %dma_wait3A_354 = arith.constant 0 : i32
      %dma_wait3A_355 = tpu.memref_slice %arg6[%dma_wait3A_351, %dma_wait3A_353, %dma_wait3A_354] : memref<5x128x128xf32, #tpu.memory_space<vmem>> -> memref<1x16x128xf32, #tpu.memory_space<vmem>>
      %dma_wait3A_356 = tpu.memref_squeeze %dma_wait3A_355 : memref<1x16x128xf32, #tpu.memory_space<vmem>> -> memref<16x128xf32, #tpu.memory_space<vmem>>
      %dma_wait3A_357 = arith.constant 9984 : i32
      %dma_wait3A_358 = arith.constant 0 : i32
      %dma_wait3A_359 = tpu.memref_slice %arg2[%dma_wait3A_357, %dma_wait3A_358] : memref<10000x128xf32, #tpu.memory_space<hbm>> -> memref<16x128xf32, #tpu.memory_space<hbm>>
      %dma_wait3A_360 = tpu.memref_slice %arg10[%dma_wait3A_352] : memref<5x!tpu.dma_semaphore, #tpu.memory_space<semaphore_mem>> -> memref<1x!tpu.dma_semaphore, #tpu.memory_space<semaphore_mem>>
      %dma_wait3A_361 = tpu.memref_squeeze %dma_wait3A_360 : memref<1x!tpu.dma_semaphore, #tpu.memory_space<semaphore_mem>> -> memref<!tpu.dma_semaphore, #tpu.memory_space<semaphore_mem>>
      %dma_wait3A_362 = arith.constant 0 : i32
      %dma_wait3A_363 = arith.constant 0 : i32
      %dma_wait3A_364 = tpu.memref_slice %arg6[%dma_wait3A_351, %dma_wait3A_362, %dma_wait3A_363] : memref<5x128x128xf32, #tpu.memory_space<vmem>> -> memref<1x16x128xf32, #tpu.memory_space<vmem>>
      %dma_wait3A_365 = tpu.memref_squeeze %dma_wait3A_364 : memref<1x16x128xf32, #tpu.memory_space<vmem>> -> memref<16x128xf32, #tpu.memory_space<vmem>>
      %dma_wait3A_366 = arith.constant 9984 : i32
      %dma_wait3A_367 = arith.constant 0 : i32
      %dma_wait3A_368 = tpu.memref_slice %arg2[%dma_wait3A_366, %dma_wait3A_367] : memref<10000x128xf32, #tpu.memory_space<hbm>> -> memref<16x128xf32, #tpu.memory_space<hbm>>
      tpu.wait_dma2 semaphore(%dma_wait3A_361 : memref<!tpu.dma_semaphore, #tpu.memory_space<semaphore_mem>>) src(%dma_wait3A_368 : memref<16x128xf32, #tpu.memory_space<hbm>>) dst(%dma_wait3A_365 : memref<16x128xf32, #tpu.memory_space<vmem>>)
      %broadcast_in_dim3A = arith.constant 2559 : i32
      %broadcast_in_dim3A_369 = vector.broadcast %broadcast_in_dim3A : i32 to vector<16xi32>
      %swap3A = arith.constant 4 : i32
      %swap3A_370 = arith.index_cast %swap3A : i32 to index
      %swap3A_371 = arith.constant 16 : index
      %swap3A_372 = tpu.vector_load %arg5[%swap3A_370, %swap3A_371] {strides = array<i32>} : memref<5x128xi32, #tpu.memory_space<vmem>>, vector<1x16xi32>,
      %swap3A_373 = vector.shape_cast %swap3A_372 : vector<1x16xi32> to vector<16xi32>
      %swap3A_374 = vector.shape_cast %broadcast_in_dim3A_369 : vector<16xi32> to vector<1x16xi32>
      tpu.vector_store %arg5[%swap3A_370, %swap3A_371], %swap3A_374 {strides = array<i32>} : memref<5x128xi32, #tpu.memory_space<vmem>>, vector<1x16xi32>,
      %broadcast_in_dim3A_375 = arith.constant 2559 : i32
      %broadcast_in_dim3A_376 = vector.broadcast %broadcast_in_dim3A_375 : i32 to vector<16xi32>
      %swap3A_377 = arith.constant 4 : i32
      %swap3A_378 = arith.index_cast %swap3A_377 : i32 to index
      %swap3A_379 = arith.constant 32 : index
      %swap3A_380 = tpu.vector_load %arg5[%swap3A_378, %swap3A_379] {strides = array<i32>} : memref<5x128xi32, #tpu.memory_space<vmem>>, vector<1x16xi32>,
      %swap3A_381 = vector.shape_cast %swap3A_380 : vector<1x16xi32> to vector<16xi32>
      %swap3A_382 = vector.shape_cast %broadcast_in_dim3A_376 : vector<16xi32> to vector<1x16xi32>
      tpu.vector_store %arg5[%swap3A_378, %swap3A_379], %swap3A_382 {strides = array<i32>} : memref<5x128xi32, #tpu.memory_space<vmem>>, vector<1x16xi32>,
      %broadcast_in_dim3A_383 = arith.constant 2559 : i32
      %broadcast_in_dim3A_384 = vector.broadcast %broadcast_in_dim3A_383 : i32 to vector<16xi32>
      %swap3A_385 = arith.constant 4 : i32
      %swap3A_386 = arith.index_cast %swap3A_385 : i32 to index
      %swap3A_387 = arith.constant 48 : index
      %swap3A_388 = tpu.vector_load %arg5[%swap3A_386, %swap3A_387] {strides = array<i32>} : memref<5x128xi32, #tpu.memory_space<vmem>>, vector<1x16xi32>,
      %swap3A_389 = vector.shape_cast %swap3A_388 : vector<1x16xi32> to vector<16xi32>
      %swap3A_390 = vector.shape_cast %broadcast_in_dim3A_384 : vector<16xi32> to vector<1x16xi32>
      tpu.vector_store %arg5[%swap3A_386, %swap3A_387], %swap3A_390 {strides = array<i32>} : memref<5x128xi32, #tpu.memory_space<vmem>>, vector<1x16xi32>,
      %broadcast_in_dim3A_391 = arith.constant 2559 : i32
      %broadcast_in_dim3A_392 = vector.broadcast %broadcast_in_dim3A_391 : i32 to vector<16xi32>
      %swap3A_393 = arith.constant 4 : i32
      %swap3A_394 = arith.index_cast %swap3A_393 : i32 to index
      %swap3A_395 = arith.constant 64 : index
      %swap3A_396 = tpu.vector_load %arg5[%swap3A_394, %swap3A_395] {strides = array<i32>} : memref<5x128xi32, #tpu.memory_space<vmem>>, vector<1x16xi32>,
      %swap3A_397 = vector.shape_cast %swap3A_396 : vector<1x16xi32> to vector<16xi32>
      %swap3A_398 = vector.shape_cast %broadcast_in_dim3A_392 : vector<16xi32> to vector<1x16xi32>
      tpu.vector_store %arg5[%swap3A_394, %swap3A_395], %swap3A_398 {strides = array<i32>} : memref<5x128xi32, #tpu.memory_space<vmem>>, vector<1x16xi32>,
      %broadcast_in_dim3A_399 = arith.constant 2559 : i32
      %broadcast_in_dim3A_400 = vector.broadcast %broadcast_in_dim3A_399 : i32 to vector<16xi32>
      %swap3A_401 = arith.constant 4 : i32
      %swap3A_402 = arith.index_cast %swap3A_401 : i32 to index
      %swap3A_403 = arith.constant 80 : index
      %swap3A_404 = tpu.vector_load %arg5[%swap3A_402, %swap3A_403] {strides = array<i32>} : memref<5x128xi32, #tpu.memory_space<vmem>>, vector<1x16xi32>,
      %swap3A_405 = vector.shape_cast %swap3A_404 : vector<1x16xi32> to vector<16xi32>
      %swap3A_406 = vector.shape_cast %broadcast_in_dim3A_400 : vector<16xi32> to vector<1x16xi32>
      tpu.vector_store %arg5[%swap3A_402, %swap3A_403], %swap3A_406 {strides = array<i32>} : memref<5x128xi32, #tpu.memory_space<vmem>>, vector<1x16xi32>,
      %broadcast_in_dim3A_407 = arith.constant 2559 : i32
      %broadcast_in_dim3A_408 = vector.broadcast %broadcast_in_dim3A_407 : i32 to vector<16xi32>
      %swap3A_409 = arith.constant 4 : i32
      %swap3A_410 = arith.index_cast %swap3A_409 : i32 to index
      %swap3A_411 = arith.constant 96 : index
      %swap3A_412 = tpu.vector_load %arg5[%swap3A_410, %swap3A_411] {strides = array<i32>} : memref<5x128xi32, #tpu.memory_space<vmem>>, vector<1x16xi32>,
      %swap3A_413 = vector.shape_cast %swap3A_412 : vector<1x16xi32> to vector<16xi32>
      %swap3A_414 = vector.shape_cast %broadcast_in_dim3A_408 : vector<16xi32> to vector<1x16xi32>
      tpu.vector_store %arg5[%swap3A_410, %swap3A_411], %swap3A_414 {strides = array<i32>} : memref<5x128xi32, #tpu.memory_space<vmem>>, vector<1x16xi32>,
      %broadcast_in_dim3A_415 = arith.constant 2559 : i32
      %broadcast_in_dim3A_416 = vector.broadcast %broadcast_in_dim3A_415 : i32 to vector<16xi32>
      %swap3A_417 = arith.constant 4 : i32
      %swap3A_418 = arith.index_cast %swap3A_417 : i32 to index
      %swap3A_419 = arith.constant 112 : index
      %swap3A_420 = tpu.vector_load %arg5[%swap3A_418, %swap3A_419] {strides = array<i32>} : memref<5x128xi32, #tpu.memory_space<vmem>>, vector<1x16xi32>,
      %swap3A_421 = vector.shape_cast %swap3A_420 : vector<1x16xi32> to vector<16xi32>
      %swap3A_422 = vector.shape_cast %broadcast_in_dim3A_416 : vector<16xi32> to vector<1x16xi32>
      tpu.vector_store %arg5[%swap3A_418, %swap3A_419], %swap3A_422 {strides = array<i32>} : memref<5x128xi32, #tpu.memory_space<vmem>>, vector<1x16xi32>,
      %dma_start3A_423 = arith.constant 4 : i32
      %dma_start3A_424 = arith.constant 4 : i32
      %dma_start3A_425 = arith.constant 4 : i32
      %dma_start3A_426 = arith.constant 0 : i32
      %dma_start3A_427 = arith.constant 0 : i32
      %dma_start3A_428 = tpu.memref_slice %arg6[%dma_start3A_423, %dma_start3A_426, %dma_start3A_427] : memref<5x128x128xf32, #tpu.memory_space<vmem>> -> memref<1x128x128xf32, #tpu.memory_space<vmem>>
      %dma_start3A_429 = tpu.memref_squeeze %dma_start3A_428 : memref<1x128x128xf32, #tpu.memory_space<vmem>> -> memref<128x128xf32, #tpu.memory_space<vmem>>
      %dma_start3A_430 = arith.constant 0 : i32
      %dma_start3A_431 = tpu.memref_slice %arg5[%dma_start3A_424, %dma_start3A_430] : memref<5x128xi32, #tpu.memory_space<vmem>> -> memref<1x128xi32, #tpu.memory_space<vmem>>
      %dma_start3A_432 = tpu.memref_squeeze %dma_start3A_431 : memref<1x128xi32, #tpu.memory_space<vmem>> -> memref<128xi32, #tpu.memory_space<vmem>>
      %dma_start3A_433 = arith.constant 0 : i32
      %dma_start3A_434 = arith.constant 0 : i32
      %dma_start3A_435 = tpu.memref_slice %arg8[%dma_start3A_433, %dma_start3A_434] : memref<2560x128xf32, #tpu.memory_space<vmem_shared>> -> memref<2560x128xf32, #tpu.memory_space<vmem_shared>>
      %dma_start3A_436 = tpu.memref_slice %arg11[%dma_start3A_425] : memref<5x!tpu.dma_semaphore, #tpu.memory_space<semaphore_mem>> -> memref<1x!tpu.dma_semaphore, #tpu.memory_space<semaphore_mem>>
      %dma_start3A_437 = tpu.memref_squeeze %dma_start3A_436 : memref<1x!tpu.dma_semaphore, #tpu.memory_space<semaphore_mem>> -> memref<!tpu.dma_semaphore, #tpu.memory_space<semaphore_mem>>
      tpu.enqueue_indirect_dma source(%dma_start3A_429 : memref<128x128xf32, #tpu.memory_space<vmem>>) target(%dma_start3A_435 : memref<2560x128xf32, #tpu.memory_space<vmem_shared>>) offsets(%dma_start3A_432 : memref<128xi32, #tpu.memory_space<vmem>>) semaphore(%dma_start3A_437 : memref<!tpu.dma_semaphore, #tpu.memory_space<semaphore_mem>>) {add = true}
    } else {
    }
    %add3A_253 = arith.constant 48 : i32
    %add3A_254 = arith.addi %arg1, %add3A_253 : i32
    %lt3A_255 = arith.constant 78 : i32
    %lt3A_256 = arith.cmpi slt, %add3A_254, %lt3A_255 : i32
    %convert_element_type3A_257 = arith.extui %lt3A_256 : i1 to i32
    %cond3A_258 = arith.constant 0 : i32
    %cond3A_259 = arith.cmpi ne, %convert_element_type3A_257, %cond3A_258 : i32
    scf.if %cond3A_259 {
      %mul3A_337 = arith.constant 128 : i32
      %mul3A_338 = arith.muli %add3A_254, %mul3A_337 : i32
      %dma_wait3A_339 = arith.constant 3 : i32
      %dma_wait3A_340 = arith.constant 3 : i32
      %dma_wait3A_341 = arith.constant 0 : i32
      %dma_wait3A_342 = tpu.memref_slice %arg5[%dma_wait3A_339, %dma_wait3A_341] : memref<5x128xi32, #tpu.memory_space<vmem>> -> memref<1x128xi32, #tpu.memory_space<vmem>>
      %dma_wait3A_343 = tpu.memref_squeeze %dma_wait3A_342 : memref<1x128xi32, #tpu.memory_space<vmem>> -> memref<128xi32, #tpu.memory_space<vmem>>
      %dma_wait3A_344 = tpu.memref_slice %arg3[%mul3A_338] : memref<10000xi32, #tpu.memory_space<hbm>> -> memref<128xi32, #tpu.memory_space<hbm>>
      %dma_wait3A_345 = tpu.memref_slice %arg9[%dma_wait3A_340] : memref<5x!tpu.dma_semaphore, #tpu.memory_space<semaphore_mem>> -> memref<1x!tpu.dma_semaphore, #tpu.memory_space<semaphore_mem>>
      %dma_wait3A_346 = tpu.memref_squeeze %dma_wait3A_345 : memref<1x!tpu.dma_semaphore, #tpu.memory_space<semaphore_mem>> -> memref<!tpu.dma_semaphore, #tpu.memory_space<semaphore_mem>>
      %dma_wait3A_347 = arith.constant 0 : i32
      %dma_wait3A_348 = tpu.memref_slice %arg5[%dma_wait3A_339, %dma_wait3A_347] : memref<5x128xi32, #tpu.memory_space<vmem>> -> memref<1x128xi32, #tpu.memory_space<vmem>>
      %dma_wait3A_349 = tpu.memref_squeeze %dma_wait3A_348 : memref<1x128xi32, #tpu.memory_space<vmem>> -> memref<128xi32, #tpu.memory_space<vmem>>
      %dma_wait3A_350 = tpu.memref_slice %arg3[%mul3A_338] : memref<10000xi32, #tpu.memory_space<hbm>> -> memref<128xi32, #tpu.memory_space<hbm>>
      tpu.wait_dma2 semaphore(%dma_wait3A_346 : memref<!tpu.dma_semaphore, #tpu.memory_space<semaphore_mem>>) src(%dma_wait3A_350 : memref<128xi32, #tpu.memory_space<hbm>>) dst(%dma_wait3A_349 : memref<128xi32, #tpu.memory_space<vmem>>)
      %mul3A_351 = arith.constant 128 : i32
      %mul3A_352 = arith.muli %add3A_254, %mul3A_351 : i32
      %dma_wait3A_353 = arith.constant 3 : i32
      %dma_wait3A_354 = arith.constant 3 : i32
      %dma_wait3A_355 = arith.constant 0 : i32
      %dma_wait3A_356 = arith.constant 0 : i32
      %dma_wait3A_357 = tpu.memref_slice %arg6[%dma_wait3A_353, %dma_wait3A_355, %dma_wait3A_356] : memref<5x128x128xf32, #tpu.memory_space<vmem>> -> memref<1x128x128xf32, #tpu.memory_space<vmem>>
      %dma_wait3A_358 = tpu.memref_squeeze %dma_wait3A_357 : memref<1x128x128xf32, #tpu.memory_space<vmem>> -> memref<128x128xf32, #tpu.memory_space<vmem>>
      %dma_wait3A_359 = arith.constant 0 : i32
      %dma_wait3A_360 = tpu.memref_slice %arg2[%mul3A_352, %dma_wait3A_359] : memref<10000x128xf32, #tpu.memory_space<hbm>> -> memref<128x128xf32, #tpu.memory_space<hbm>>
      %dma_wait3A_361 = tpu.memref_slice %arg10[%dma_wait3A_354] : memref<5x!tpu.dma_semaphore, #tpu.memory_space<semaphore_mem>> -> memref<1x!tpu.dma_semaphore, #tpu.memory_space<semaphore_mem>>
      %dma_wait3A_362 = tpu.memref_squeeze %dma_wait3A_361 : memref<1x!tpu.dma_semaphore, #tpu.memory_space<semaphore_mem>> -> memref<!tpu.dma_semaphore, #tpu.memory_space<semaphore_mem>>
      %dma_wait3A_363 = arith.constant 0 : i32
      %dma_wait3A_364 = arith.constant 0 : i32
      %dma_wait3A_365 = tpu.memref_slice %arg6[%dma_wait3A_353, %dma_wait3A_363, %dma_wait3A_364] : memref<5x128x128xf32, #tpu.memory_space<vmem>> -> memref<1x128x128xf32, #tpu.memory_space<vmem>>
      %dma_wait3A_366 = tpu.memref_squeeze %dma_wait3A_365 : memref<1x128x128xf32, #tpu.memory_space<vmem>> -> memref<128x128xf32, #tpu.memory_space<vmem>>
      %dma_wait3A_367 = arith.constant 0 : i32
      %dma_wait3A_368 = tpu.memref_slice %arg2[%mul3A_352, %dma_wait3A_367] : memref<10000x128xf32, #tpu.memory_space<hbm>> -> memref<128x128xf32, #tpu.memory_space<hbm>>
      tpu.wait_dma2 semaphore(%dma_wait3A_362 : memref<!tpu.dma_semaphore, #tpu.memory_space<semaphore_mem>>) src(%dma_wait3A_368 : memref<128x128xf32, #tpu.memory_space<hbm>>) dst(%dma_wait3A_366 : memref<128x128xf32, #tpu.memory_space<vmem>>)
      %dma_start3A_369 = arith.constant 3 : i32
      %dma_start3A_370 = arith.constant 3 : i32
      %dma_start3A_371 = arith.constant 3 : i32
      %dma_start3A_372 = arith.constant 0 : i32
      %dma_start3A_373 = arith.constant 0 : i32
      %dma_start3A_374 = tpu.memref_slice %arg6[%dma_start3A_369, %dma_start3A_372, %dma_start3A_373] : memref<5x128x128xf32, #tpu.memory_space<vmem>> -> memref<1x128x128xf32, #tpu.memory_space<vmem>>
      %dma_start3A_375 = tpu.memref_squeeze %dma_start3A_374 : memref<1x128x128xf32, #tpu.memory_space<vmem>> -> memref<128x128xf32, #tpu.memory_space<vmem>>
      %dma_start3A_376 = arith.constant 0 : i32
      %dma_start3A_377 = tpu.memref_slice %arg5[%dma_start3A_370, %dma_start3A_376] : memref<5x128xi32, #tpu.memory_space<vmem>> -> memref<1x128xi32, #tpu.memory_space<vmem>>
      %dma_start3A_378 = tpu.memref_squeeze %dma_start3A_377 : memref<1x128xi32, #tpu.memory_space<vmem>> -> memref<128xi32, #tpu.memory_space<vmem>>
      %dma_start3A_379 = arith.constant 0 : i32
      %dma_start3A_380 = arith.constant 0 : i32
      %dma_start3A_381 = tpu.memref_slice %arg8[%dma_start3A_379, %dma_start3A_380] : memref<2560x128xf32, #tpu.memory_space<vmem_shared>> -> memref<2560x128xf32, #tpu.memory_space<vmem_shared>>
      %dma_start3A_382 = tpu.memref_slice %arg11[%dma_start3A_371] : memref<5x!tpu.dma_semaphore, #tpu.memory_space<semaphore_mem>> -> memref<1x!tpu.dma_semaphore, #tpu.memory_space<semaphore_mem>>
      %dma_start3A_383 = tpu.memref_squeeze %dma_start3A_382 : memref<1x!tpu.dma_semaphore, #tpu.memory_space<semaphore_mem>> -> memref<!tpu.dma_semaphore, #tpu.memory_space<semaphore_mem>>
      tpu.enqueue_indirect_dma source(%dma_start3A_375 : memref<128x128xf32, #tpu.memory_space<vmem>>) target(%dma_start3A_381 : memref<2560x128xf32, #tpu.memory_space<vmem_shared>>) offsets(%dma_start3A_378 : memref<128xi32, #tpu.memory_space<vmem>>) semaphore(%dma_start3A_383 : memref<!tpu.dma_semaphore, #tpu.memory_space<semaphore_mem>>) {add = true}
    } else {
    }
    %eq3A_260 = arith.constant 79 : i32
    %eq3A_261 = arith.cmpi eq, %add3A_254, %eq3A_260 : i32
    %convert_element_type3A_262 = arith.extui %eq3A_261 : i1 to i32
    %cond3A_263 = arith.constant 0 : i32
    %cond3A_264 = arith.cmpi ne, %convert_element_type3A_262, %cond3A_263 : i32
    scf.if %cond3A_264 {
      %dma_wait3A_337 = arith.constant 4 : i32
      %dma_wait3A_338 = arith.constant 4 : i32
      %dma_wait3A_339 = arith.constant 0 : i32
      %dma_wait3A_340 = tpu.memref_slice %arg5[%dma_wait3A_337, %dma_wait3A_339] : memref<5x128xi32, #tpu.memory_space<vmem>> -> memref<1x16xi32, #tpu.memory_space<vmem>>
      %dma_wait3A_341 = tpu.memref_squeeze %dma_wait3A_340 : memref<1x16xi32, #tpu.memory_space<vmem>> -> memref<16xi32, #tpu.memory_space<vmem>>
      %dma_wait3A_342 = arith.constant 9984 : i32
      %dma_wait3A_343 = tpu.memref_slice %arg3[%dma_wait3A_342] : memref<10000xi32, #tpu.memory_space<hbm>> -> memref<16xi32, #tpu.memory_space<hbm>>
      %dma_wait3A_344 = tpu.memref_slice %arg9[%dma_wait3A_338] : memref<5x!tpu.dma_semaphore, #tpu.memory_space<semaphore_mem>> -> memref<1x!tpu.dma_semaphore, #tpu.memory_space<semaphore_mem>>
      %dma_wait3A_345 = tpu.memref_squeeze %dma_wait3A_344 : memref<1x!tpu.dma_semaphore, #tpu.memory_space<semaphore_mem>> -> memref<!tpu.dma_semaphore, #tpu.memory_space<semaphore_mem>>
      %dma_wait3A_346 = arith.constant 0 : i32
      %dma_wait3A_347 = tpu.memref_slice %arg5[%dma_wait3A_337, %dma_wait3A_346] : memref<5x128xi32, #tpu.memory_space<vmem>> -> memref<1x16xi32, #tpu.memory_space<vmem>>
      %dma_wait3A_348 = tpu.memref_squeeze %dma_wait3A_347 : memref<1x16xi32, #tpu.memory_space<vmem>> -> memref<16xi32, #tpu.memory_space<vmem>>
      %dma_wait3A_349 = arith.constant 9984 : i32
      %dma_wait3A_350 = tpu.memref_slice %arg3[%dma_wait3A_349] : memref<10000xi32, #tpu.memory_space<hbm>> -> memref<16xi32, #tpu.memory_space<hbm>>
      tpu.wait_dma2 semaphore(%dma_wait3A_345 : memref<!tpu.dma_semaphore, #tpu.memory_space<semaphore_mem>>) src(%dma_wait3A_350 : memref<16xi32, #tpu.memory_space<hbm>>) dst(%dma_wait3A_348 : memref<16xi32, #tpu.memory_space<vmem>>)
      %dma_wait3A_351 = arith.constant 4 : i32
      %dma_wait3A_352 = arith.constant 4 : i32
      %dma_wait3A_353 = arith.constant 0 : i32
      %dma_wait3A_354 = arith.constant 0 : i32
      %dma_wait3A_355 = tpu.memref_slice %arg6[%dma_wait3A_351, %dma_wait3A_353, %dma_wait3A_354] : memref<5x128x128xf32, #tpu.memory_space<vmem>> -> memref<1x16x128xf32, #tpu.memory_space<vmem>>
      %dma_wait3A_356 = tpu.memref_squeeze %dma_wait3A_355 : memref<1x16x128xf32, #tpu.memory_space<vmem>> -> memref<16x128xf32, #tpu.memory_space<vmem>>
      %dma_wait3A_357 = arith.constant 9984 : i32
      %dma_wait3A_358 = arith.constant 0 : i32
      %dma_wait3A_359 = tpu.memref_slice %arg2[%dma_wait3A_357, %dma_wait3A_358] : memref<10000x128xf32, #tpu.memory_space<hbm>> -> memref<16x128xf32, #tpu.memory_space<hbm>>
      %dma_wait3A_360 = tpu.memref_slice %arg10[%dma_wait3A_352] : memref<5x!tpu.dma_semaphore, #tpu.memory_space<semaphore_mem>> -> memref<1x!tpu.dma_semaphore, #tpu.memory_space<semaphore_mem>>
      %dma_wait3A_361 = tpu.memref_squeeze %dma_wait3A_360 : memref<1x!tpu.dma_semaphore, #tpu.memory_space<semaphore_mem>> -> memref<!tpu.dma_semaphore, #tpu.memory_space<semaphore_mem>>
      %dma_wait3A_362 = arith.constant 0 : i32
      %dma_wait3A_363 = arith.constant 0 : i32
      %dma_wait3A_364 = tpu.memref_slice %arg6[%dma_wait3A_351, %dma_wait3A_362, %dma_wait3A_363] : memref<5x128x128xf32, #tpu.memory_space<vmem>> -> memref<1x16x128xf32, #tpu.memory_space<vmem>>
      %dma_wait3A_365 = tpu.memref_squeeze %dma_wait3A_364 : memref<1x16x128xf32, #tpu.memory_space<vmem>> -> memref<16x128xf32, #tpu.memory_space<vmem>>
      %dma_wait3A_366 = arith.constant 9984 : i32
      %dma_wait3A_367 = arith.constant 0 : i32
      %dma_wait3A_368 = tpu.memref_slice %arg2[%dma_wait3A_366, %dma_wait3A_367] : memref<10000x128xf32, #tpu.memory_space<hbm>> -> memref<16x128xf32, #tpu.memory_space<hbm>>
      tpu.wait_dma2 semaphore(%dma_wait3A_361 : memref<!tpu.dma_semaphore, #tpu.memory_space<semaphore_mem>>) src(%dma_wait3A_368 : memref<16x128xf32, #tpu.memory_space<hbm>>) dst(%dma_wait3A_365 : memref<16x128xf32, #tpu.memory_space<vmem>>)
      %broadcast_in_dim3A = arith.constant 2559 : i32
      %broadcast_in_dim3A_369 = vector.broadcast %broadcast_in_dim3A : i32 to vector<16xi32>
      %swap3A = arith.constant 4 : i32
      %swap3A_370 = arith.index_cast %swap3A : i32 to index
      %swap3A_371 = arith.constant 16 : index
      %swap3A_372 = tpu.vector_load %arg5[%swap3A_370, %swap3A_371] {strides = array<i32>} : memref<5x128xi32, #tpu.memory_space<vmem>>, vector<1x16xi32>,
      %swap3A_373 = vector.shape_cast %swap3A_372 : vector<1x16xi32> to vector<16xi32>
      %swap3A_374 = vector.shape_cast %broadcast_in_dim3A_369 : vector<16xi32> to vector<1x16xi32>
      tpu.vector_store %arg5[%swap3A_370, %swap3A_371], %swap3A_374 {strides = array<i32>} : memref<5x128xi32, #tpu.memory_space<vmem>>, vector<1x16xi32>,
      %broadcast_in_dim3A_375 = arith.constant 2559 : i32
      %broadcast_in_dim3A_376 = vector.broadcast %broadcast_in_dim3A_375 : i32 to vector<16xi32>
      %swap3A_377 = arith.constant 4 : i32
      %swap3A_378 = arith.index_cast %swap3A_377 : i32 to index
      %swap3A_379 = arith.constant 32 : index
      %swap3A_380 = tpu.vector_load %arg5[%swap3A_378, %swap3A_379] {strides = array<i32>} : memref<5x128xi32, #tpu.memory_space<vmem>>, vector<1x16xi32>,
      %swap3A_381 = vector.shape_cast %swap3A_380 : vector<1x16xi32> to vector<16xi32>
      %swap3A_382 = vector.shape_cast %broadcast_in_dim3A_376 : vector<16xi32> to vector<1x16xi32>
      tpu.vector_store %arg5[%swap3A_378, %swap3A_379], %swap3A_382 {strides = array<i32>} : memref<5x128xi32, #tpu.memory_space<vmem>>, vector<1x16xi32>,
      %broadcast_in_dim3A_383 = arith.constant 2559 : i32
      %broadcast_in_dim3A_384 = vector.broadcast %broadcast_in_dim3A_383 : i32 to vector<16xi32>
      %swap3A_385 = arith.constant 4 : i32
      %swap3A_386 = arith.index_cast %swap3A_385 : i32 to index
      %swap3A_387 = arith.constant 48 : index
      %swap3A_388 = tpu.vector_load %arg5[%swap3A_386, %swap3A_387] {strides = array<i32>} : memref<5x128xi32, #tpu.memory_space<vmem>>, vector<1x16xi32>,
      %swap3A_389 = vector.shape_cast %swap3A_388 : vector<1x16xi32> to vector<16xi32>
      %swap3A_390 = vector.shape_cast %broadcast_in_dim3A_384 : vector<16xi32> to vector<1x16xi32>
      tpu.vector_store %arg5[%swap3A_386, %swap3A_387], %swap3A_390 {strides = array<i32>} : memref<5x128xi32, #tpu.memory_space<vmem>>, vector<1x16xi32>,
      %broadcast_in_dim3A_391 = arith.constant 2559 : i32
      %broadcast_in_dim3A_392 = vector.broadcast %broadcast_in_dim3A_391 : i32 to vector<16xi32>
      %swap3A_393 = arith.constant 4 : i32
      %swap3A_394 = arith.index_cast %swap3A_393 : i32 to index
      %swap3A_395 = arith.constant 64 : index
      %swap3A_396 = tpu.vector_load %arg5[%swap3A_394, %swap3A_395] {strides = array<i32>} : memref<5x128xi32, #tpu.memory_space<vmem>>, vector<1x16xi32>,
      %swap3A_397 = vector.shape_cast %swap3A_396 : vector<1x16xi32> to vector<16xi32>
      %swap3A_398 = vector.shape_cast %broadcast_in_dim3A_392 : vector<16xi32> to vector<1x16xi32>
      tpu.vector_store %arg5[%swap3A_394, %swap3A_395], %swap3A_398 {strides = array<i32>} : memref<5x128xi32, #tpu.memory_space<vmem>>, vector<1x16xi32>,
      %broadcast_in_dim3A_399 = arith.constant 2559 : i32
      %broadcast_in_dim3A_400 = vector.broadcast %broadcast_in_dim3A_399 : i32 to vector<16xi32>
      %swap3A_401 = arith.constant 4 : i32
      %swap3A_402 = arith.index_cast %swap3A_401 : i32 to index
      %swap3A_403 = arith.constant 80 : index
      %swap3A_404 = tpu.vector_load %arg5[%swap3A_402, %swap3A_403] {strides = array<i32>} : memref<5x128xi32, #tpu.memory_space<vmem>>, vector<1x16xi32>,
      %swap3A_405 = vector.shape_cast %swap3A_404 : vector<1x16xi32> to vector<16xi32>
      %swap3A_406 = vector.shape_cast %broadcast_in_dim3A_400 : vector<16xi32> to vector<1x16xi32>
      tpu.vector_store %arg5[%swap3A_402, %swap3A_403], %swap3A_406 {strides = array<i32>} : memref<5x128xi32, #tpu.memory_space<vmem>>, vector<1x16xi32>,
      %broadcast_in_dim3A_407 = arith.constant 2559 : i32
      %broadcast_in_dim3A_408 = vector.broadcast %broadcast_in_dim3A_407 : i32 to vector<16xi32>
      %swap3A_409 = arith.constant 4 : i32
      %swap3A_410 = arith.index_cast %swap3A_409 : i32 to index
      %swap3A_411 = arith.constant 96 : index
      %swap3A_412 = tpu.vector_load %arg5[%swap3A_410, %swap3A_411] {strides = array<i32>} : memref<5x128xi32, #tpu.memory_space<vmem>>, vector<1x16xi32>,
      %swap3A_413 = vector.shape_cast %swap3A_412 : vector<1x16xi32> to vector<16xi32>
      %swap3A_414 = vector.shape_cast %broadcast_in_dim3A_408 : vector<16xi32> to vector<1x16xi32>
      tpu.vector_store %arg5[%swap3A_410, %swap3A_411], %swap3A_414 {strides = array<i32>} : memref<5x128xi32, #tpu.memory_space<vmem>>, vector<1x16xi32>,
      %broadcast_in_dim3A_415 = arith.constant 2559 : i32
      %broadcast_in_dim3A_416 = vector.broadcast %broadcast_in_dim3A_415 : i32 to vector<16xi32>
      %swap3A_417 = arith.constant 4 : i32
      %swap3A_418 = arith.index_cast %swap3A_417 : i32 to index
      %swap3A_419 = arith.constant 112 : index
      %swap3A_420 = tpu.vector_load %arg5[%swap3A_418, %swap3A_419] {strides = array<i32>} : memref<5x128xi32, #tpu.memory_space<vmem>>, vector<1x16xi32>,
      %swap3A_421 = vector.shape_cast %swap3A_420 : vector<1x16xi32> to vector<16xi32>
      %swap3A_422 = vector.shape_cast %broadcast_in_dim3A_416 : vector<16xi32> to vector<1x16xi32>
      tpu.vector_store %arg5[%swap3A_418, %swap3A_419], %swap3A_422 {strides = array<i32>} : memref<5x128xi32, #tpu.memory_space<vmem>>, vector<1x16xi32>,
      %dma_start3A_423 = arith.constant 4 : i32
      %dma_start3A_424 = arith.constant 4 : i32
      %dma_start3A_425 = arith.constant 4 : i32
      %dma_start3A_426 = arith.constant 0 : i32
      %dma_start3A_427 = arith.constant 0 : i32
      %dma_start3A_428 = tpu.memref_slice %arg6[%dma_start3A_423, %dma_start3A_426, %dma_start3A_427] : memref<5x128x128xf32, #tpu.memory_space<vmem>> -> memref<1x128x128xf32, #tpu.memory_space<vmem>>
      %dma_start3A_429 = tpu.memref_squeeze %dma_start3A_428 : memref<1x128x128xf32, #tpu.memory_space<vmem>> -> memref<128x128xf32, #tpu.memory_space<vmem>>
      %dma_start3A_430 = arith.constant 0 : i32
      %dma_start3A_431 = tpu.memref_slice %arg5[%dma_start3A_424, %dma_start3A_430] : memref<5x128xi32, #tpu.memory_space<vmem>> -> memref<1x128xi32, #tpu.memory_space<vmem>>
      %dma_start3A_432 = tpu.memref_squeeze %dma_start3A_431 : memref<1x128xi32, #tpu.memory_space<vmem>> -> memref<128xi32, #tpu.memory_space<vmem>>
      %dma_start3A_433 = arith.constant 0 : i32
      %dma_start3A_434 = arith.constant 0 : i32
      %dma_start3A_435 = tpu.memref_slice %arg8[%dma_start3A_433, %dma_start3A_434] : memref<2560x128xf32, #tpu.memory_space<vmem_shared>> -> memref<2560x128xf32, #tpu.memory_space<vmem_shared>>
      %dma_start3A_436 = tpu.memref_slice %arg11[%dma_start3A_425] : memref<5x!tpu.dma_semaphore, #tpu.memory_space<semaphore_mem>> -> memref<1x!tpu.dma_semaphore, #tpu.memory_space<semaphore_mem>>
      %dma_start3A_437 = tpu.memref_squeeze %dma_start3A_436 : memref<1x!tpu.dma_semaphore, #tpu.memory_space<semaphore_mem>> -> memref<!tpu.dma_semaphore, #tpu.memory_space<semaphore_mem>>
      tpu.enqueue_indirect_dma source(%dma_start3A_429 : memref<128x128xf32, #tpu.memory_space<vmem>>) target(%dma_start3A_435 : memref<2560x128xf32, #tpu.memory_space<vmem_shared>>) offsets(%dma_start3A_432 : memref<128xi32, #tpu.memory_space<vmem>>) semaphore(%dma_start3A_437 : memref<!tpu.dma_semaphore, #tpu.memory_space<semaphore_mem>>) {add = true}
    } else {
    }
    %add3A_265 = arith.constant 64 : i32
    %add3A_266 = arith.addi %arg1, %add3A_265 : i32
    %lt3A_267 = arith.constant 78 : i32
    %lt3A_268 = arith.cmpi slt, %add3A_266, %lt3A_267 : i32
    %convert_element_type3A_269 = arith.extui %lt3A_268 : i1 to i32
    %cond3A_270 = arith.constant 0 : i32
    %cond3A_271 = arith.cmpi ne, %convert_element_type3A_269, %cond3A_270 : i32
    scf.if %cond3A_271 {
      %mul3A_337 = arith.constant 128 : i32
      %mul3A_338 = arith.muli %add3A_266, %mul3A_337 : i32
      %dma_wait3A_339 = arith.constant 4 : i32
      %dma_wait3A_340 = arith.constant 4 : i32
      %dma_wait3A_341 = arith.constant 0 : i32
      %dma_wait3A_342 = tpu.memref_slice %arg5[%dma_wait3A_339, %dma_wait3A_341] : memref<5x128xi32, #tpu.memory_space<vmem>> -> memref<1x128xi32, #tpu.memory_space<vmem>>
      %dma_wait3A_343 = tpu.memref_squeeze %dma_wait3A_342 : memref<1x128xi32, #tpu.memory_space<vmem>> -> memref<128xi32, #tpu.memory_space<vmem>>
      %dma_wait3A_344 = tpu.memref_slice %arg3[%mul3A_338] : memref<10000xi32, #tpu.memory_space<hbm>> -> memref<128xi32, #tpu.memory_space<hbm>>
      %dma_wait3A_345 = tpu.memref_slice %arg9[%dma_wait3A_340] : memref<5x!tpu.dma_semaphore, #tpu.memory_space<semaphore_mem>> -> memref<1x!tpu.dma_semaphore, #tpu.memory_space<semaphore_mem>>
      %dma_wait3A_346 = tpu.memref_squeeze %dma_wait3A_345 : memref<1x!tpu.dma_semaphore, #tpu.memory_space<semaphore_mem>> -> memref<!tpu.dma_semaphore, #tpu.memory_space<semaphore_mem>>
      %dma_wait3A_347 = arith.constant 0 : i32
      %dma_wait3A_348 = tpu.memref_slice %arg5[%dma_wait3A_339, %dma_wait3A_347] : memref<5x128xi32, #tpu.memory_space<vmem>> -> memref<1x128xi32, #tpu.memory_space<vmem>>
      %dma_wait3A_349 = tpu.memref_squeeze %dma_wait3A_348 : memref<1x128xi32, #tpu.memory_space<vmem>> -> memref<128xi32, #tpu.memory_space<vmem>>
      %dma_wait3A_350 = tpu.memref_slice %arg3[%mul3A_338] : memref<10000xi32, #tpu.memory_space<hbm>> -> memref<128xi32, #tpu.memory_space<hbm>>
      tpu.wait_dma2 semaphore(%dma_wait3A_346 : memref<!tpu.dma_semaphore, #tpu.memory_space<semaphore_mem>>) src(%dma_wait3A_350 : memref<128xi32, #tpu.memory_space<hbm>>) dst(%dma_wait3A_349 : memref<128xi32, #tpu.memory_space<vmem>>)
      %mul3A_351 = arith.constant 128 : i32
      %mul3A_352 = arith.muli %add3A_266, %mul3A_351 : i32
      %dma_wait3A_353 = arith.constant 4 : i32
      %dma_wait3A_354 = arith.constant 4 : i32
      %dma_wait3A_355 = arith.constant 0 : i32
      %dma_wait3A_356 = arith.constant 0 : i32
      %dma_wait3A_357 = tpu.memref_slice %arg6[%dma_wait3A_353, %dma_wait3A_355, %dma_wait3A_356] : memref<5x128x128xf32, #tpu.memory_space<vmem>> -> memref<1x128x128xf32, #tpu.memory_space<vmem>>
      %dma_wait3A_358 = tpu.memref_squeeze %dma_wait3A_357 : memref<1x128x128xf32, #tpu.memory_space<vmem>> -> memref<128x128xf32, #tpu.memory_space<vmem>>
      %dma_wait3A_359 = arith.constant 0 : i32
      %dma_wait3A_360 = tpu.memref_slice %arg2[%mul3A_352, %dma_wait3A_359] : memref<10000x128xf32, #tpu.memory_space<hbm>> -> memref<128x128xf32, #tpu.memory_space<hbm>>
      %dma_wait3A_361 = tpu.memref_slice %arg10[%dma_wait3A_354] : memref<5x!tpu.dma_semaphore, #tpu.memory_space<semaphore_mem>> -> memref<1x!tpu.dma_semaphore, #tpu.memory_space<semaphore_mem>>
      %dma_wait3A_362 = tpu.memref_squeeze %dma_wait3A_361 : memref<1x!tpu.dma_semaphore, #tpu.memory_space<semaphore_mem>> -> memref<!tpu.dma_semaphore, #tpu.memory_space<semaphore_mem>>
      %dma_wait3A_363 = arith.constant 0 : i32
      %dma_wait3A_364 = arith.constant 0 : i32
      %dma_wait3A_365 = tpu.memref_slice %arg6[%dma_wait3A_353, %dma_wait3A_363, %dma_wait3A_364] : memref<5x128x128xf32, #tpu.memory_space<vmem>> -> memref<1x128x128xf32, #tpu.memory_space<vmem>>
      %dma_wait3A_366 = tpu.memref_squeeze %dma_wait3A_365 : memref<1x128x128xf32, #tpu.memory_space<vmem>> -> memref<128x128xf32, #tpu.memory_space<vmem>>
      %dma_wait3A_367 = arith.constant 0 : i32
      %dma_wait3A_368 = tpu.memref_slice %arg2[%mul3A_352, %dma_wait3A_367] : memref<10000x128xf32, #tpu.memory_space<hbm>> -> memref<128x128xf32, #tpu.memory_space<hbm>>
      tpu.wait_dma2 semaphore(%dma_wait3A_362 : memref<!tpu.dma_semaphore, #tpu.memory_space<semaphore_mem>>) src(%dma_wait3A_368 : memref<128x128xf32, #tpu.memory_space<hbm>>) dst(%dma_wait3A_366 : memref<128x128xf32, #tpu.memory_space<vmem>>)
      %dma_start3A_369 = arith.constant 4 : i32
      %dma_start3A_370 = arith.constant 4 : i32
      %dma_start3A_371 = arith.constant 4 : i32
      %dma_start3A_372 = arith.constant 0 : i32
      %dma_start3A_373 = arith.constant 0 : i32
      %dma_start3A_374 = tpu.memref_slice %arg6[%dma_start3A_369, %dma_start3A_372, %dma_start3A_373] : memref<5x128x128xf32, #tpu.memory_space<vmem>> -> memref<1x128x128xf32, #tpu.memory_space<vmem>>
      %dma_start3A_375 = tpu.memref_squeeze %dma_start3A_374 : memref<1x128x128xf32, #tpu.memory_space<vmem>> -> memref<128x128xf32, #tpu.memory_space<vmem>>
      %dma_start3A_376 = arith.constant 0 : i32
      %dma_start3A_377 = tpu.memref_slice %arg5[%dma_start3A_370, %dma_start3A_376] : memref<5x128xi32, #tpu.memory_space<vmem>> -> memref<1x128xi32, #tpu.memory_space<vmem>>
      %dma_start3A_378 = tpu.memref_squeeze %dma_start3A_377 : memref<1x128xi32, #tpu.memory_space<vmem>> -> memref<128xi32, #tpu.memory_space<vmem>>
      %dma_start3A_379 = arith.constant 0 : i32
      %dma_start3A_380 = arith.constant 0 : i32
      %dma_start3A_381 = tpu.memref_slice %arg8[%dma_start3A_379, %dma_start3A_380] : memref<2560x128xf32, #tpu.memory_space<vmem_shared>> -> memref<2560x128xf32, #tpu.memory_space<vmem_shared>>
      %dma_start3A_382 = tpu.memref_slice %arg11[%dma_start3A_371] : memref<5x!tpu.dma_semaphore, #tpu.memory_space<semaphore_mem>> -> memref<1x!tpu.dma_semaphore, #tpu.memory_space<semaphore_mem>>
      %dma_start3A_383 = tpu.memref_squeeze %dma_start3A_382 : memref<1x!tpu.dma_semaphore, #tpu.memory_space<semaphore_mem>> -> memref<!tpu.dma_semaphore, #tpu.memory_space<semaphore_mem>>
      tpu.enqueue_indirect_dma source(%dma_start3A_375 : memref<128x128xf32, #tpu.memory_space<vmem>>) target(%dma_start3A_381 : memref<2560x128xf32, #tpu.memory_space<vmem_shared>>) offsets(%dma_start3A_378 : memref<128xi32, #tpu.memory_space<vmem>>) semaphore(%dma_start3A_383 : memref<!tpu.dma_semaphore, #tpu.memory_space<semaphore_mem>>) {add = true}
    } else {
    }
    %eq3A_272 = arith.constant 79 : i32
    %eq3A_273 = arith.cmpi eq, %add3A_266, %eq3A_272 : i32
    %convert_element_type3A_274 = arith.extui %eq3A_273 : i1 to i32
    %cond3A_275 = arith.constant 0 : i32
    %cond3A_276 = arith.cmpi ne, %convert_element_type3A_274, %cond3A_275 : i32
    scf.if %cond3A_276 {
      %dma_wait3A_337 = arith.constant 4 : i32
      %dma_wait3A_338 = arith.constant 4 : i32
      %dma_wait3A_339 = arith.constant 0 : i32
      %dma_wait3A_340 = tpu.memref_slice %arg5[%dma_wait3A_337, %dma_wait3A_339] : memref<5x128xi32, #tpu.memory_space<vmem>> -> memref<1x16xi32, #tpu.memory_space<vmem>>
      %dma_wait3A_341 = tpu.memref_squeeze %dma_wait3A_340 : memref<1x16xi32, #tpu.memory_space<vmem>> -> memref<16xi32, #tpu.memory_space<vmem>>
      %dma_wait3A_342 = arith.constant 9984 : i32
      %dma_wait3A_343 = tpu.memref_slice %arg3[%dma_wait3A_342] : memref<10000xi32, #tpu.memory_space<hbm>> -> memref<16xi32, #tpu.memory_space<hbm>>
      %dma_wait3A_344 = tpu.memref_slice %arg9[%dma_wait3A_338] : memref<5x!tpu.dma_semaphore, #tpu.memory_space<semaphore_mem>> -> memref<1x!tpu.dma_semaphore, #tpu.memory_space<semaphore_mem>>
      %dma_wait3A_345 = tpu.memref_squeeze %dma_wait3A_344 : memref<1x!tpu.dma_semaphore, #tpu.memory_space<semaphore_mem>> -> memref<!tpu.dma_semaphore, #tpu.memory_space<semaphore_mem>>
      %dma_wait3A_346 = arith.constant 0 : i32
      %dma_wait3A_347 = tpu.memref_slice %arg5[%dma_wait3A_337, %dma_wait3A_346] : memref<5x128xi32, #tpu.memory_space<vmem>> -> memref<1x16xi32, #tpu.memory_space<vmem>>
      %dma_wait3A_348 = tpu.memref_squeeze %dma_wait3A_347 : memref<1x16xi32, #tpu.memory_space<vmem>> -> memref<16xi32, #tpu.memory_space<vmem>>
      %dma_wait3A_349 = arith.constant 9984 : i32
      %dma_wait3A_350 = tpu.memref_slice %arg3[%dma_wait3A_349] : memref<10000xi32, #tpu.memory_space<hbm>> -> memref<16xi32, #tpu.memory_space<hbm>>
      tpu.wait_dma2 semaphore(%dma_wait3A_345 : memref<!tpu.dma_semaphore, #tpu.memory_space<semaphore_mem>>) src(%dma_wait3A_350 : memref<16xi32, #tpu.memory_space<hbm>>) dst(%dma_wait3A_348 : memref<16xi32, #tpu.memory_space<vmem>>)
      %dma_wait3A_351 = arith.constant 4 : i32
      %dma_wait3A_352 = arith.constant 4 : i32
      %dma_wait3A_353 = arith.constant 0 : i32
      %dma_wait3A_354 = arith.constant 0 : i32
      %dma_wait3A_355 = tpu.memref_slice %arg6[%dma_wait3A_351, %dma_wait3A_353, %dma_wait3A_354] : memref<5x128x128xf32, #tpu.memory_space<vmem>> -> memref<1x16x128xf32, #tpu.memory_space<vmem>>
      %dma_wait3A_356 = tpu.memref_squeeze %dma_wait3A_355 : memref<1x16x128xf32, #tpu.memory_space<vmem>> -> memref<16x128xf32, #tpu.memory_space<vmem>>
      %dma_wait3A_357 = arith.constant 9984 : i32
      %dma_wait3A_358 = arith.constant 0 : i32
      %dma_wait3A_359 = tpu.memref_slice %arg2[%dma_wait3A_357, %dma_wait3A_358] : memref<10000x128xf32, #tpu.memory_space<hbm>> -> memref<16x128xf32, #tpu.memory_space<hbm>>
      %dma_wait3A_360 = tpu.memref_slice %arg10[%dma_wait3A_352] : memref<5x!tpu.dma_semaphore, #tpu.memory_space<semaphore_mem>> -> memref<1x!tpu.dma_semaphore, #tpu.memory_space<semaphore_mem>>
      %dma_wait3A_361 = tpu.memref_squeeze %dma_wait3A_360 : memref<1x!tpu.dma_semaphore, #tpu.memory_space<semaphore_mem>> -> memref<!tpu.dma_semaphore, #tpu.memory_space<semaphore_mem>>
      %dma_wait3A_362 = arith.constant 0 : i32
      %dma_wait3A_363 = arith.constant 0 : i32
      %dma_wait3A_364 = tpu.memref_slice %arg6[%dma_wait3A_351, %dma_wait3A_362, %dma_wait3A_363] : memref<5x128x128xf32, #tpu.memory_space<vmem>> -> memref<1x16x128xf32, #tpu.memory_space<vmem>>
      %dma_wait3A_365 = tpu.memref_squeeze %dma_wait3A_364 : memref<1x16x128xf32, #tpu.memory_space<vmem>> -> memref<16x128xf32, #tpu.memory_space<vmem>>
      %dma_wait3A_366 = arith.constant 9984 : i32
      %dma_wait3A_367 = arith.constant 0 : i32
      %dma_wait3A_368 = tpu.memref_slice %arg2[%dma_wait3A_366, %dma_wait3A_367] : memref<10000x128xf32, #tpu.memory_space<hbm>> -> memref<16x128xf32, #tpu.memory_space<hbm>>
      tpu.wait_dma2 semaphore(%dma_wait3A_361 : memref<!tpu.dma_semaphore, #tpu.memory_space<semaphore_mem>>) src(%dma_wait3A_368 : memref<16x128xf32, #tpu.memory_space<hbm>>) dst(%dma_wait3A_365 : memref<16x128xf32, #tpu.memory_space<vmem>>)
      %broadcast_in_dim3A = arith.constant 2559 : i32
      %broadcast_in_dim3A_369 = vector.broadcast %broadcast_in_dim3A : i32 to vector<16xi32>
      %swap3A = arith.constant 4 : i32
      %swap3A_370 = arith.index_cast %swap3A : i32 to index
      %swap3A_371 = arith.constant 16 : index
      %swap3A_372 = tpu.vector_load %arg5[%swap3A_370, %swap3A_371] {strides = array<i32>} : memref<5x128xi32, #tpu.memory_space<vmem>>, vector<1x16xi32>,
      %swap3A_373 = vector.shape_cast %swap3A_372 : vector<1x16xi32> to vector<16xi32>
      %swap3A_374 = vector.shape_cast %broadcast_in_dim3A_369 : vector<16xi32> to vector<1x16xi32>
      tpu.vector_store %arg5[%swap3A_370, %swap3A_371], %swap3A_374 {strides = array<i32>} : memref<5x128xi32, #tpu.memory_space<vmem>>, vector<1x16xi32>,
      %broadcast_in_dim3A_375 = arith.constant 2559 : i32
      %broadcast_in_dim3A_376 = vector.broadcast %broadcast_in_dim3A_375 : i32 to vector<16xi32>
      %swap3A_377 = arith.constant 4 : i32
      %swap3A_378 = arith.index_cast %swap3A_377 : i32 to index
      %swap3A_379 = arith.constant 32 : index
      %swap3A_380 = tpu.vector_load %arg5[%swap3A_378, %swap3A_379] {strides = array<i32>} : memref<5x128xi32, #tpu.memory_space<vmem>>, vector<1x16xi32>,
      %swap3A_381 = vector.shape_cast %swap3A_380 : vector<1x16xi32> to vector<16xi32>
      %swap3A_382 = vector.shape_cast %broadcast_in_dim3A_376 : vector<16xi32> to vector<1x16xi32>
      tpu.vector_store %arg5[%swap3A_378, %swap3A_379], %swap3A_382 {strides = array<i32>} : memref<5x128xi32, #tpu.memory_space<vmem>>, vector<1x16xi32>,
      %broadcast_in_dim3A_383 = arith.constant 2559 : i32
      %broadcast_in_dim3A_384 = vector.broadcast %broadcast_in_dim3A_383 : i32 to vector<16xi32>
      %swap3A_385 = arith.constant 4 : i32
      %swap3A_386 = arith.index_cast %swap3A_385 : i32 to index
      %swap3A_387 = arith.constant 48 : index
      %swap3A_388 = tpu.vector_load %arg5[%swap3A_386, %swap3A_387] {strides = array<i32>} : memref<5x128xi32, #tpu.memory_space<vmem>>, vector<1x16xi32>,
      %swap3A_389 = vector.shape_cast %swap3A_388 : vector<1x16xi32> to vector<16xi32>
      %swap3A_390 = vector.shape_cast %broadcast_in_dim3A_384 : vector<16xi32> to vector<1x16xi32>
      tpu.vector_store %arg5[%swap3A_386, %swap3A_387], %swap3A_390 {strides = array<i32>} : memref<5x128xi32, #tpu.memory_space<vmem>>, vector<1x16xi32>,
      %broadcast_in_dim3A_391 = arith.constant 2559 : i32
      %broadcast_in_dim3A_392 = vector.broadcast %broadcast_in_dim3A_391 : i32 to vector<16xi32>
      %swap3A_393 = arith.constant 4 : i32
      %swap3A_394 = arith.index_cast %swap3A_393 : i32 to index
      %swap3A_395 = arith.constant 64 : index
      %swap3A_396 = tpu.vector_load %arg5[%swap3A_394, %swap3A_395] {strides = array<i32>} : memref<5x128xi32, #tpu.memory_space<vmem>>, vector<1x16xi32>,
      %swap3A_397 = vector.shape_cast %swap3A_396 : vector<1x16xi32> to vector<16xi32>
      %swap3A_398 = vector.shape_cast %broadcast_in_dim3A_392 : vector<16xi32> to vector<1x16xi32>
      tpu.vector_store %arg5[%swap3A_394, %swap3A_395], %swap3A_398 {strides = array<i32>} : memref<5x128xi32, #tpu.memory_space<vmem>>, vector<1x16xi32>,
      %broadcast_in_dim3A_399 = arith.constant 2559 : i32
      %broadcast_in_dim3A_400 = vector.broadcast %broadcast_in_dim3A_399 : i32 to vector<16xi32>
      %swap3A_401 = arith.constant 4 : i32
      %swap3A_402 = arith.index_cast %swap3A_401 : i32 to index
      %swap3A_403 = arith.constant 80 : index
      %swap3A_404 = tpu.vector_load %arg5[%swap3A_402, %swap3A_403] {strides = array<i32>} : memref<5x128xi32, #tpu.memory_space<vmem>>, vector<1x16xi32>,
      %swap3A_405 = vector.shape_cast %swap3A_404 : vector<1x16xi32> to vector<16xi32>
      %swap3A_406 = vector.shape_cast %broadcast_in_dim3A_400 : vector<16xi32> to vector<1x16xi32>
      tpu.vector_store %arg5[%swap3A_402, %swap3A_403], %swap3A_406 {strides = array<i32>} : memref<5x128xi32, #tpu.memory_space<vmem>>, vector<1x16xi32>,
      %broadcast_in_dim3A_407 = arith.constant 2559 : i32
      %broadcast_in_dim3A_408 = vector.broadcast %broadcast_in_dim3A_407 : i32 to vector<16xi32>
      %swap3A_409 = arith.constant 4 : i32
      %swap3A_410 = arith.index_cast %swap3A_409 : i32 to index
      %swap3A_411 = arith.constant 96 : index
      %swap3A_412 = tpu.vector_load %arg5[%swap3A_410, %swap3A_411] {strides = array<i32>} : memref<5x128xi32, #tpu.memory_space<vmem>>, vector<1x16xi32>,
      %swap3A_413 = vector.shape_cast %swap3A_412 : vector<1x16xi32> to vector<16xi32>
      %swap3A_414 = vector.shape_cast %broadcast_in_dim3A_408 : vector<16xi32> to vector<1x16xi32>
      tpu.vector_store %arg5[%swap3A_410, %swap3A_411], %swap3A_414 {strides = array<i32>} : memref<5x128xi32, #tpu.memory_space<vmem>>, vector<1x16xi32>,
      %broadcast_in_dim3A_415 = arith.constant 2559 : i32
      %broadcast_in_dim3A_416 = vector.broadcast %broadcast_in_dim3A_415 : i32 to vector<16xi32>
      %swap3A_417 = arith.constant 4 : i32
      %swap3A_418 = arith.index_cast %swap3A_417 : i32 to index
      %swap3A_419 = arith.constant 112 : index
      %swap3A_420 = tpu.vector_load %arg5[%swap3A_418, %swap3A_419] {strides = array<i32>} : memref<5x128xi32, #tpu.memory_space<vmem>>, vector<1x16xi32>,
      %swap3A_421 = vector.shape_cast %swap3A_420 : vector<1x16xi32> to vector<16xi32>
      %swap3A_422 = vector.shape_cast %broadcast_in_dim3A_416 : vector<16xi32> to vector<1x16xi32>
      tpu.vector_store %arg5[%swap3A_418, %swap3A_419], %swap3A_422 {strides = array<i32>} : memref<5x128xi32, #tpu.memory_space<vmem>>, vector<1x16xi32>,
      %dma_start3A_423 = arith.constant 4 : i32
      %dma_start3A_424 = arith.constant 4 : i32
      %dma_start3A_425 = arith.constant 4 : i32
      %dma_start3A_426 = arith.constant 0 : i32
      %dma_start3A_427 = arith.constant 0 : i32
      %dma_start3A_428 = tpu.memref_slice %arg6[%dma_start3A_423, %dma_start3A_426, %dma_start3A_427] : memref<5x128x128xf32, #tpu.memory_space<vmem>> -> memref<1x128x128xf32, #tpu.memory_space<vmem>>
      %dma_start3A_429 = tpu.memref_squeeze %dma_start3A_428 : memref<1x128x128xf32, #tpu.memory_space<vmem>> -> memref<128x128xf32, #tpu.memory_space<vmem>>
      %dma_start3A_430 = arith.constant 0 : i32
      %dma_start3A_431 = tpu.memref_slice %arg5[%dma_start3A_424, %dma_start3A_430] : memref<5x128xi32, #tpu.memory_space<vmem>> -> memref<1x128xi32, #tpu.memory_space<vmem>>
      %dma_start3A_432 = tpu.memref_squeeze %dma_start3A_431 : memref<1x128xi32, #tpu.memory_space<vmem>> -> memref<128xi32, #tpu.memory_space<vmem>>
      %dma_start3A_433 = arith.constant 0 : i32
      %dma_start3A_434 = arith.constant 0 : i32
      %dma_start3A_435 = tpu.memref_slice %arg8[%dma_start3A_433, %dma_start3A_434] : memref<2560x128xf32, #tpu.memory_space<vmem_shared>> -> memref<2560x128xf32, #tpu.memory_space<vmem_shared>>
      %dma_start3A_436 = tpu.memref_slice %arg11[%dma_start3A_425] : memref<5x!tpu.dma_semaphore, #tpu.memory_space<semaphore_mem>> -> memref<1x!tpu.dma_semaphore, #tpu.memory_space<semaphore_mem>>
      %dma_start3A_437 = tpu.memref_squeeze %dma_start3A_436 : memref<1x!tpu.dma_semaphore, #tpu.memory_space<semaphore_mem>> -> memref<!tpu.dma_semaphore, #tpu.memory_space<semaphore_mem>>
      tpu.enqueue_indirect_dma source(%dma_start3A_429 : memref<128x128xf32, #tpu.memory_space<vmem>>) target(%dma_start3A_435 : memref<2560x128xf32, #tpu.memory_space<vmem_shared>>) offsets(%dma_start3A_432 : memref<128xi32, #tpu.memory_space<vmem>>) semaphore(%dma_start3A_437 : memref<!tpu.dma_semaphore, #tpu.memory_space<semaphore_mem>>) {add = true}
    } else {
    }
    %add3A_277 = arith.constant 0 : i32
    %add3A_278 = arith.addi %arg1, %add3A_277 : i32
    %lt3A_279 = arith.constant 78 : i32
    %lt3A_280 = arith.cmpi slt, %add3A_278, %lt3A_279 : i32
    %eq3A_281 = arith.constant 79 : i32
    %eq3A_282 = arith.cmpi eq, %add3A_278, %eq3A_281 : i32
    %or3A = arith.ori %lt3A_280, %eq3A_282 : i1
    %convert_element_type3A_283 = arith.extui %or3A : i1 to i32
    %cond3A_284 = arith.constant 0 : i32
    %cond3A_285 = arith.cmpi ne, %convert_element_type3A_283, %cond3A_284 : i32
    scf.if %cond3A_285 {
      %dma_wait3A_337 = arith.constant 0 : i32
      %dma_wait3A_338 = arith.constant 0 : i32
      %dma_wait3A_339 = arith.constant 0 : i32
      %dma_wait3A_340 = arith.constant 0 : i32
      %dma_wait3A_341 = arith.constant 0 : i32
      %dma_wait3A_342 = tpu.memref_slice %arg6[%dma_wait3A_337, %dma_wait3A_340, %dma_wait3A_341] : memref<5x128x128xf32, #tpu.memory_space<vmem>> -> memref<1x128x128xf32, #tpu.memory_space<vmem>>
      %dma_wait3A_343 = tpu.memref_squeeze %dma_wait3A_342 : memref<1x128x128xf32, #tpu.memory_space<vmem>> -> memref<128x128xf32, #tpu.memory_space<vmem>>
      %dma_wait3A_344 = arith.constant 0 : i32
      %dma_wait3A_345 = tpu.memref_slice %arg5[%dma_wait3A_338, %dma_wait3A_344] : memref<5x128xi32, #tpu.memory_space<vmem>> -> memref<1x128xi32, #tpu.memory_space<vmem>>
      %dma_wait3A_346 = tpu.memref_squeeze %dma_wait3A_345 : memref<1x128xi32, #tpu.memory_space<vmem>> -> memref<128xi32, #tpu.memory_space<vmem>>
      %dma_wait3A_347 = arith.constant 0 : i32
      %dma_wait3A_348 = arith.constant 0 : i32
      %dma_wait3A_349 = tpu.memref_slice %arg8[%dma_wait3A_347, %dma_wait3A_348] : memref<2560x128xf32, #tpu.memory_space<vmem_shared>> -> memref<2560x128xf32, #tpu.memory_space<vmem_shared>>
      %dma_wait3A_350 = tpu.memref_slice %arg11[%dma_wait3A_339] : memref<5x!tpu.dma_semaphore, #tpu.memory_space<semaphore_mem>> -> memref<1x!tpu.dma_semaphore, #tpu.memory_space<semaphore_mem>>
      %dma_wait3A_351 = tpu.memref_squeeze %dma_wait3A_350 : memref<1x!tpu.dma_semaphore, #tpu.memory_space<semaphore_mem>> -> memref<!tpu.dma_semaphore, #tpu.memory_space<semaphore_mem>>
      tpu.wait_indirect_dma semaphore(%dma_wait3A_351 : memref<!tpu.dma_semaphore, #tpu.memory_space<semaphore_mem>>) src(%dma_wait3A_343 : memref<128x128xf32, #tpu.memory_space<vmem>>) dst(%dma_wait3A_349 : memref<2560x128xf32, #tpu.memory_space<vmem_shared>>)
    } else {
    }
    %add3A_286 = arith.constant 16 : i32
    %add3A_287 = arith.addi %arg1, %add3A_286 : i32
    %lt3A_288 = arith.constant 78 : i32
    %lt3A_289 = arith.cmpi slt, %add3A_287, %lt3A_288 : i32
    %eq3A_290 = arith.constant 79 : i32
    %eq3A_291 = arith.cmpi eq, %add3A_287, %eq3A_290 : i32
    %or3A_292 = arith.ori %lt3A_289, %eq3A_291 : i1
    %convert_element_type3A_293 = arith.extui %or3A_292 : i1 to i32
    %cond3A_294 = arith.constant 0 : i32
    %cond3A_295 = arith.cmpi ne, %convert_element_type3A_293, %cond3A_294 : i32
    scf.if %cond3A_295 {
      %dma_wait3A_337 = arith.constant 1 : i32
      %dma_wait3A_338 = arith.constant 1 : i32
      %dma_wait3A_339 = arith.constant 1 : i32
      %dma_wait3A_340 = arith.constant 0 : i32
      %dma_wait3A_341 = arith.constant 0 : i32
      %dma_wait3A_342 = tpu.memref_slice %arg6[%dma_wait3A_337, %dma_wait3A_340, %dma_wait3A_341] : memref<5x128x128xf32, #tpu.memory_space<vmem>> -> memref<1x128x128xf32, #tpu.memory_space<vmem>>
      %dma_wait3A_343 = tpu.memref_squeeze %dma_wait3A_342 : memref<1x128x128xf32, #tpu.memory_space<vmem>> -> memref<128x128xf32, #tpu.memory_space<vmem>>
      %dma_wait3A_344 = arith.constant 0 : i32
      %dma_wait3A_345 = tpu.memref_slice %arg5[%dma_wait3A_338, %dma_wait3A_344] : memref<5x128xi32, #tpu.memory_space<vmem>> -> memref<1x128xi32, #tpu.memory_space<vmem>>
      %dma_wait3A_346 = tpu.memref_squeeze %dma_wait3A_345 : memref<1x128xi32, #tpu.memory_space<vmem>> -> memref<128xi32, #tpu.memory_space<vmem>>
      %dma_wait3A_347 = arith.constant 0 : i32
      %dma_wait3A_348 = arith.constant 0 : i32
      %dma_wait3A_349 = tpu.memref_slice %arg8[%dma_wait3A_347, %dma_wait3A_348] : memref<2560x128xf32, #tpu.memory_space<vmem_shared>> -> memref<2560x128xf32, #tpu.memory_space<vmem_shared>>
      %dma_wait3A_350 = tpu.memref_slice %arg11[%dma_wait3A_339] : memref<5x!tpu.dma_semaphore, #tpu.memory_space<semaphore_mem>> -> memref<1x!tpu.dma_semaphore, #tpu.memory_space<semaphore_mem>>
      %dma_wait3A_351 = tpu.memref_squeeze %dma_wait3A_350 : memref<1x!tpu.dma_semaphore, #tpu.memory_space<semaphore_mem>> -> memref<!tpu.dma_semaphore, #tpu.memory_space<semaphore_mem>>
      tpu.wait_indirect_dma semaphore(%dma_wait3A_351 : memref<!tpu.dma_semaphore, #tpu.memory_space<semaphore_mem>>) src(%dma_wait3A_343 : memref<128x128xf32, #tpu.memory_space<vmem>>) dst(%dma_wait3A_349 : memref<2560x128xf32, #tpu.memory_space<vmem_shared>>)
    } else {
    }
    %add3A_296 = arith.constant 32 : i32
    %add3A_297 = arith.addi %arg1, %add3A_296 : i32
    %lt3A_298 = arith.constant 78 : i32
    %lt3A_299 = arith.cmpi slt, %add3A_297, %lt3A_298 : i32
    %eq3A_300 = arith.constant 79 : i32
    %eq3A_301 = arith.cmpi eq, %add3A_297, %eq3A_300 : i32
    %or3A_302 = arith.ori %lt3A_299, %eq3A_301 : i1
    %convert_element_type3A_303 = arith.extui %or3A_302 : i1 to i32
    %cond3A_304 = arith.constant 0 : i32
    %cond3A_305 = arith.cmpi ne, %convert_element_type3A_303, %cond3A_304 : i32
    scf.if %cond3A_305 {
      %dma_wait3A_337 = arith.constant 2 : i32
      %dma_wait3A_338 = arith.constant 2 : i32
      %dma_wait3A_339 = arith.constant 2 : i32
      %dma_wait3A_340 = arith.constant 0 : i32
      %dma_wait3A_341 = arith.constant 0 : i32
      %dma_wait3A_342 = tpu.memref_slice %arg6[%dma_wait3A_337, %dma_wait3A_340, %dma_wait3A_341] : memref<5x128x128xf32, #tpu.memory_space<vmem>> -> memref<1x128x128xf32, #tpu.memory_space<vmem>>
      %dma_wait3A_343 = tpu.memref_squeeze %dma_wait3A_342 : memref<1x128x128xf32, #tpu.memory_space<vmem>> -> memref<128x128xf32, #tpu.memory_space<vmem>>
      %dma_wait3A_344 = arith.constant 0 : i32
      %dma_wait3A_345 = tpu.memref_slice %arg5[%dma_wait3A_338, %dma_wait3A_344] : memref<5x128xi32, #tpu.memory_space<vmem>> -> memref<1x128xi32, #tpu.memory_space<vmem>>
      %dma_wait3A_346 = tpu.memref_squeeze %dma_wait3A_345 : memref<1x128xi32, #tpu.memory_space<vmem>> -> memref<128xi32, #tpu.memory_space<vmem>>
      %dma_wait3A_347 = arith.constant 0 : i32
      %dma_wait3A_348 = arith.constant 0 : i32
      %dma_wait3A_349 = tpu.memref_slice %arg8[%dma_wait3A_347, %dma_wait3A_348] : memref<2560x128xf32, #tpu.memory_space<vmem_shared>> -> memref<2560x128xf32, #tpu.memory_space<vmem_shared>>
      %dma_wait3A_350 = tpu.memref_slice %arg11[%dma_wait3A_339] : memref<5x!tpu.dma_semaphore, #tpu.memory_space<semaphore_mem>> -> memref<1x!tpu.dma_semaphore, #tpu.memory_space<semaphore_mem>>
      %dma_wait3A_351 = tpu.memref_squeeze %dma_wait3A_350 : memref<1x!tpu.dma_semaphore, #tpu.memory_space<semaphore_mem>> -> memref<!tpu.dma_semaphore, #tpu.memory_space<semaphore_mem>>
      tpu.wait_indirect_dma semaphore(%dma_wait3A_351 : memref<!tpu.dma_semaphore, #tpu.memory_space<semaphore_mem>>) src(%dma_wait3A_343 : memref<128x128xf32, #tpu.memory_space<vmem>>) dst(%dma_wait3A_349 : memref<2560x128xf32, #tpu.memory_space<vmem_shared>>)
    } else {
    }
    %add3A_306 = arith.constant 48 : i32
    %add3A_307 = arith.addi %arg1, %add3A_306 : i32
    %lt3A_308 = arith.constant 78 : i32
    %lt3A_309 = arith.cmpi slt, %add3A_307, %lt3A_308 : i32
    %eq3A_310 = arith.constant 79 : i32
    %eq3A_311 = arith.cmpi eq, %add3A_307, %eq3A_310 : i32
    %or3A_312 = arith.ori %lt3A_309, %eq3A_311 : i1
    %convert_element_type3A_313 = arith.extui %or3A_312 : i1 to i32
    %cond3A_314 = arith.constant 0 : i32
    %cond3A_315 = arith.cmpi ne, %convert_element_type3A_313, %cond3A_314 : i32
    scf.if %cond3A_315 {
      %dma_wait3A_337 = arith.constant 3 : i32
      %dma_wait3A_338 = arith.constant 3 : i32
      %dma_wait3A_339 = arith.constant 3 : i32
      %dma_wait3A_340 = arith.constant 0 : i32
      %dma_wait3A_341 = arith.constant 0 : i32
      %dma_wait3A_342 = tpu.memref_slice %arg6[%dma_wait3A_337, %dma_wait3A_340, %dma_wait3A_341] : memref<5x128x128xf32, #tpu.memory_space<vmem>> -> memref<1x128x128xf32, #tpu.memory_space<vmem>>
      %dma_wait3A_343 = tpu.memref_squeeze %dma_wait3A_342 : memref<1x128x128xf32, #tpu.memory_space<vmem>> -> memref<128x128xf32, #tpu.memory_space<vmem>>
      %dma_wait3A_344 = arith.constant 0 : i32
      %dma_wait3A_345 = tpu.memref_slice %arg5[%dma_wait3A_338, %dma_wait3A_344] : memref<5x128xi32, #tpu.memory_space<vmem>> -> memref<1x128xi32, #tpu.memory_space<vmem>>
      %dma_wait3A_346 = tpu.memref_squeeze %dma_wait3A_345 : memref<1x128xi32, #tpu.memory_space<vmem>> -> memref<128xi32, #tpu.memory_space<vmem>>
      %dma_wait3A_347 = arith.constant 0 : i32
      %dma_wait3A_348 = arith.constant 0 : i32
      %dma_wait3A_349 = tpu.memref_slice %arg8[%dma_wait3A_347, %dma_wait3A_348] : memref<2560x128xf32, #tpu.memory_space<vmem_shared>> -> memref<2560x128xf32, #tpu.memory_space<vmem_shared>>
      %dma_wait3A_350 = tpu.memref_slice %arg11[%dma_wait3A_339] : memref<5x!tpu.dma_semaphore, #tpu.memory_space<semaphore_mem>> -> memref<1x!tpu.dma_semaphore, #tpu.memory_space<semaphore_mem>>
      %dma_wait3A_351 = tpu.memref_squeeze %dma_wait3A_350 : memref<1x!tpu.dma_semaphore, #tpu.memory_space<semaphore_mem>> -> memref<!tpu.dma_semaphore, #tpu.memory_space<semaphore_mem>>
      tpu.wait_indirect_dma semaphore(%dma_wait3A_351 : memref<!tpu.dma_semaphore, #tpu.memory_space<semaphore_mem>>) src(%dma_wait3A_343 : memref<128x128xf32, #tpu.memory_space<vmem>>) dst(%dma_wait3A_349 : memref<2560x128xf32, #tpu.memory_space<vmem_shared>>)
    } else {
    }
    %add3A_316 = arith.constant 64 : i32
    %add3A_317 = arith.addi %arg1, %add3A_316 : i32
    %lt3A_318 = arith.constant 78 : i32
    %lt3A_319 = arith.cmpi slt, %add3A_317, %lt3A_318 : i32
    %eq3A_320 = arith.constant 79 : i32
    %eq3A_321 = arith.cmpi eq, %add3A_317, %eq3A_320 : i32
    %or3A_322 = arith.ori %lt3A_319, %eq3A_321 : i1
    %convert_element_type3A_323 = arith.extui %or3A_322 : i1 to i32
    %cond3A_324 = arith.constant 0 : i32
    %cond3A_325 = arith.cmpi ne, %convert_element_type3A_323, %cond3A_324 : i32
    scf.if %cond3A_325 {
      %dma_wait3A_337 = arith.constant 4 : i32
      %dma_wait3A_338 = arith.constant 4 : i32
      %dma_wait3A_339 = arith.constant 4 : i32
      %dma_wait3A_340 = arith.constant 0 : i32
      %dma_wait3A_341 = arith.constant 0 : i32
      %dma_wait3A_342 = tpu.memref_slice %arg6[%dma_wait3A_337, %dma_wait3A_340, %dma_wait3A_341] : memref<5x128x128xf32, #tpu.memory_space<vmem>> -> memref<1x128x128xf32, #tpu.memory_space<vmem>>
      %dma_wait3A_343 = tpu.memref_squeeze %dma_wait3A_342 : memref<1x128x128xf32, #tpu.memory_space<vmem>> -> memref<128x128xf32, #tpu.memory_space<vmem>>
      %dma_wait3A_344 = arith.constant 0 : i32
      %dma_wait3A_345 = tpu.memref_slice %arg5[%dma_wait3A_338, %dma_wait3A_344] : memref<5x128xi32, #tpu.memory_space<vmem>> -> memref<1x128xi32, #tpu.memory_space<vmem>>
      %dma_wait3A_346 = tpu.memref_squeeze %dma_wait3A_345 : memref<1x128xi32, #tpu.memory_space<vmem>> -> memref<128xi32, #tpu.memory_space<vmem>>
      %dma_wait3A_347 = arith.constant 0 : i32
      %dma_wait3A_348 = arith.constant 0 : i32
      %dma_wait3A_349 = tpu.memref_slice %arg8[%dma_wait3A_347, %dma_wait3A_348] : memref<2560x128xf32, #tpu.memory_space<vmem_shared>> -> memref<2560x128xf32, #tpu.memory_space<vmem_shared>>
      %dma_wait3A_350 = tpu.memref_slice %arg11[%dma_wait3A_339] : memref<5x!tpu.dma_semaphore, #tpu.memory_space<semaphore_mem>> -> memref<1x!tpu.dma_semaphore, #tpu.memory_space<semaphore_mem>>
      %dma_wait3A_351 = tpu.memref_squeeze %dma_wait3A_350 : memref<1x!tpu.dma_semaphore, #tpu.memory_space<semaphore_mem>> -> memref<!tpu.dma_semaphore, #tpu.memory_space<semaphore_mem>>
      tpu.wait_indirect_dma semaphore(%dma_wait3A_351 : memref<!tpu.dma_semaphore, #tpu.memory_space<semaphore_mem>>) src(%dma_wait3A_343 : memref<128x128xf32, #tpu.memory_space<vmem>>) dst(%dma_wait3A_349 : memref<2560x128xf32, #tpu.memory_space<vmem_shared>>)
    } else {
    }
    %barrier3A_326 = arith.constant 0 : index
    tpu.barrier barrier_id(%barrier3A_326)
    %lt3A_327 = arith.constant 15 : i32
    %lt3A_328 = arith.cmpi slt, %arg1, %lt3A_327 : i32
    %convert_element_type3A_329 = arith.extui %lt3A_328 : i1 to i32
    %cond3A_330 = arith.constant 0 : i32
    %cond3A_331 = arith.cmpi ne, %convert_element_type3A_329, %cond3A_330 : i32
    scf.if %cond3A_331 {
      %mul3A_337 = arith.constant 160 : i32
      %mul3A_338 = arith.muli %arg1, %mul3A_337 : i32
      %mul3A_339 = arith.constant 160 : i32
      %mul3A_340 = arith.muli %arg1, %mul3A_339 : i32
      "tpu.region"() ({
        %run_scoped3A = tpu.sem_alloc : memref<!tpu.dma_semaphore, #tpu.memory_space<semaphore_mem>>
        %dma_start3A_341 = arith.constant 0 : i32
        %dma_start3A_342 = tpu.memref_slice %arg4[%mul3A_340, %dma_start3A_341] : memref<2500x128xf32, #tpu.memory_space<hbm>> -> memref<160x128xf32, #tpu.memory_space<hbm>>
        %dma_start3A_343 = arith.constant 0 : i32
        %dma_start3A_344 = tpu.memref_slice %arg8[%mul3A_338, %dma_start3A_343] : memref<2560x128xf32, #tpu.memory_space<vmem_shared>> -> memref<160x128xf32, #tpu.memory_space<vmem_shared>>
        tpu.enqueue_dma source(%dma_start3A_344 : memref<160x128xf32, #tpu.memory_space<vmem_shared>>) target(%dma_start3A_342 : memref<160x128xf32, #tpu.memory_space<hbm>>) target_semaphore(%run_scoped3A : memref<!tpu.dma_semaphore, #tpu.memory_space<semaphore_mem>>)
        %dma_wait3A_345 = arith.constant 0 : i32
        %dma_wait3A_346 = tpu.memref_slice %arg4[%mul3A_340, %dma_wait3A_345] : memref<2500x128xf32, #tpu.memory_space<hbm>> -> memref<160x128xf32, #tpu.memory_space<hbm>>
        %dma_wait3A_347 = arith.constant 0 : i32
        %dma_wait3A_348 = tpu.memref_slice %arg8[%mul3A_338, %dma_wait3A_347] : memref<2560x128xf32, #tpu.memory_space<vmem_shared>> -> memref<160x128xf32, #tpu.memory_space<vmem_shared>>
        tpu.wait_dma2 semaphore(%run_scoped3A : memref<!tpu.dma_semaphore, #tpu.memory_space<semaphore_mem>>) src(%dma_wait3A_348 : memref<160x128xf32, #tpu.memory_space<vmem_shared>>) dst(%dma_wait3A_346 : memref<160x128xf32, #tpu.memory_space<hbm>>)
        tpu.yield
      }) : () -> ()
    } else {
    }
    %eq3A_332 = arith.constant 15 : i32
    %eq3A_333 = arith.cmpi eq, %arg1, %eq3A_332 : i32
    %convert_element_type3A_334 = arith.extui %eq3A_333 : i1 to i32
    %cond3A_335 = arith.constant 0 : i32
    %cond3A_336 = arith.cmpi ne, %convert_element_type3A_334, %cond3A_335 : i32
    scf.if %cond3A_336 {
      "tpu.region"() ({
        %run_scoped3A = tpu.sem_alloc : memref<!tpu.dma_semaphore, #tpu.memory_space<semaphore_mem>>
        %dma_start3A_337 = arith.constant 2400 : i32
        %dma_start3A_338 = arith.constant 0 : i32
        %dma_start3A_339 = tpu.memref_slice %arg4[%dma_start3A_337, %dma_start3A_338] : memref<2500x128xf32, #tpu.memory_space<hbm>> -> memref<100x128xf32, #tpu.memory_space<hbm>>
        %dma_start3A_340 = arith.constant 2400 : i32
        %dma_start3A_341 = arith.constant 0 : i32
        %dma_start3A_342 = tpu.memref_slice %arg8[%dma_start3A_340, %dma_start3A_341] : memref<2560x128xf32, #tpu.memory_space<vmem_shared>> -> memref<100x128xf32, #tpu.memory_space<vmem_shared>>
        tpu.enqueue_dma source(%dma_start3A_342 : memref<100x128xf32, #tpu.memory_space<vmem_shared>>) target(%dma_start3A_339 : memref<100x128xf32, #tpu.memory_space<hbm>>) target_semaphore(%run_scoped3A : memref<!tpu.dma_semaphore, #tpu.memory_space<semaphore_mem>>)
        %dma_wait3A_343 = arith.constant 2400 : i32
        %dma_wait3A_344 = arith.constant 0 : i32
        %dma_wait3A_345 = tpu.memref_slice %arg4[%dma_wait3A_343, %dma_wait3A_344] : memref<2500x128xf32, #tpu.memory_space<hbm>> -> memref<100x128xf32, #tpu.memory_space<hbm>>
        %dma_wait3A_346 = arith.constant 2400 : i32
        %dma_wait3A_347 = arith.constant 0 : i32
        %dma_wait3A_348 = tpu.memref_slice %arg8[%dma_wait3A_346, %dma_wait3A_347] : memref<2560x128xf32, #tpu.memory_space<vmem_shared>> -> memref<100x128xf32, #tpu.memory_space<vmem_shared>>
        tpu.wait_dma2 semaphore(%run_scoped3A : memref<!tpu.dma_semaphore, #tpu.memory_space<semaphore_mem>>) src(%dma_wait3A_348 : memref<100x128xf32, #tpu.memory_space<vmem_shared>>) dst(%dma_wait3A_345 : memref<100x128xf32, #tpu.memory_space<hbm>>)
        tpu.yield
      }) : () -> ()
    } else {
    }
    return
  }
}

</mosaic_0001>

<sc_bundles>
// kernel: _segment_sum_sc.3.cloned.1.call-start
scs
__scs_entry_jumppad:
0x0: {  	(pc) =	sbr.rel $0x88, $3  }
0x1: {  	(tag) =	ssettag $0x0;
	lr =	simm.s32 $0x1  }
0x2: {  	[smem:$0x3F9F] =	sst lr;
	_ =	strace $0xD0000000  }
0x3: {  	_ = 	snop  }
0x4: {  	_ = 	snop  }
0x5: {  	_ = 	snop  }
0x6: {  	_ = 	snop  }
0x7: {  	_ = 	snop  }
__scs_overlays_trampoline_lowered:
0x8: {  	[smem:$0x3FAE] =	sst s0  }
0x9: {  	[smem:$0x3FAF] =	sst s1  }
0xa: {  	[smem:$0x3FB0] =	sst s2  }
0xb: {  	[smem:$0x3FB1] =	sst s3  }
0xc: {  	[smem:$0x3FB2] =	sst s4  }
0xd: {  	[smem:$0x3FB3] =	sst s5  }
0xe: {  	[smem:$0x3FB4] =	sst s6  }
0xf: {  	[smem:$0x3FB5] =	sst s7  }
0x10: {  	[smem:$0x3FB6] =	sst s8  }
0x11: {  	[smem:$0x3FB7] =	sst s9;
	s0 =	simm.s32 @!p0 $0x0  }
0x12: {  	s1 =	sld [smem:$0x3F9D];
	s0 =	simm.s32 @p0 $0x1  }
0x13: {  	[smem:$0x3FB8] =	sst s0;
	s0 =	simm.s32 @!p1 $0x0  }
0x14: {  	s2 =	sld [smem:$0x3F9C];
	s0 =	simm.s32 @p1 $0x1  }
0x15: {  	[smem:$0x3FB9] =	sst s0;
	s0 =	simm.s32 @!p2 $0x0  }
0x16: {  	s3 =	sld [smem:$0x3FDB];
	s0 =	simm.s32 @p2 $0x1  }
0x17: {  	s4 =	simm.s32 $0x1BF5;
	[smem:$0x3FBB] =	sst s0  }
0x18: {  	s0 =	sld [smem:$0x3F9E];
	_ =	swait.ge [sflag:s4], $0x0  }
0x19: {  	s7 =	sld [smem:$0x3F9F]  }
0x1a: {  	s8 =	sadd.s32 $0xFFFFE003, lr  }
0x1b: {  	s9 =	sadd.s32 $0xFFFFFEF7, lr;
	s5 =	simm.s32 $0xFFFFFFFF;
	p2 =	slt.u32 s8, $0xFFFFF086  }
0x1c: {  	p1 =	slt.u32 s9, $0xF7A;
	s5 =	simm.s32 @!p2 $0x0  }
0x1d: {  	s5 =	simm.s32 @p1 $0x1;
	p0 =	seq.s32 s7, s2  }
0x1e: {  	s7 =	smul.u32 @!p0 $0xF7A, s2;
	p2 =	seq.s32 @!p0 s5, $0x0  }
0x1f: {  	s9 =	smul.u32 $0xF7A, s1;
	s8 =	simm.s32 @!p0 $0x1BF5;
	p2 =	por !p2, p0  }
0x20: {  	[sflag:s8] =	ssyncset.s32 @!p0 $0xFFFFF086;
	s6 =	sadd.s32 @!p0 s3, s7;
	s7 =	simm.s32 @!p0 $0x108  }
0x21: {  	s3 =	sadd.s32 s3, s9;
	s6 =	sadd.s32 @!p0 $0x88, s6;
	s7 =	simm.s32 @p2 $0x1082  }
0x22: {  	[simem:s7], [sflag:s8] =	dma.local @!p0 [hbm:s6], $0xF7A  }
0x23: {  	s9 =	sor.u32 $0xD0000000, s2;
	s6 =	simm.s32 $0x108;
	_ =	swait.ge @!p0 [sflag:s8], $0x0  }
0x24: {  	s3 =	sadd.s32 $0x88, s3;
	s6 =	simm.s32 @!p1 $0x1082;
	[sflag:s4] =	ssyncset.s32 $0xFFFFF086  }
0x25: {  	[simem:s6], [sflag:s4] =	dma.local [hbm:s3], $0xF7A  }
0x26: {  	[smem:$0x3F9F] =	sst s1;
	(tag) =	ssettag s2;
	_ =	strace s9  }
0x27: {  	s1 =	sld [smem:$0x3FAF]  }
0x28: {  	s2 =	sld [smem:$0x3FB0]  }
0x29: {  	s4 =	sld [smem:$0x3FB2]  }
0x2a: {  	p0 =	seq.s32 s5, $0x0;
	s5 =	sld [smem:$0x3FB3]  }
0x2b: {  	s6 =	sld [smem:$0x3FB4]  }
0x2c: {  	s7 =	sld [smem:$0x3FB5]  }
0x2d: {  	s3 =	simm.s32 $0x108;
	s8 =	sld [smem:$0x3FB6]  }
0x2e: {  	s3 =	simm.s32 @!p0 $0x1082;
	s9 =	sld [smem:$0x3FB7]  }
0x2f: {  	lr =	sadd.s32 s0, s3;
	s0 =	sld [smem:$0x3FAE]  }
0x30: {  	s3 =	sld [smem:$0x3FB1]  }
0x31: {  	[smem:$0x3FBA] =	sst s10  }
0x32: {  	s10 =	sld [smem:$0x3FB8];
	_ =	sdelay $0x3  }
0x33: {  	p0 =	seq.s32 s10, $0x1;
	s10 =	sld [smem:$0x3FBA];
	_ =	sdelay $0x3  }
0x34: {  	[smem:$0x3FBA] =	sst s10  }
0x35: {  	s10 =	sld [smem:$0x3FB9];
	_ =	sdelay $0x3  }
0x36: {  	p1 =	seq.s32 s10, $0x1;
	s10 =	sld [smem:$0x3FBA];
	_ =	sdelay $0x3  }
0x37: {  	[smem:$0x3FBA] =	sst s10  }
0x38: {  	s10 =	sld [smem:$0x3FBB]  }
0x39: {  	_ = 	snop;
	(pc) =	sbr.ind lr, $3  }
0x3a: {  	_ = 	snop  }
0x3b: {  	_ = 	snop  }
0x3c: {  	p2 =	seq.s32 s10, $0x1;
	s10 =	sld [smem:$0x3FBA]  }
0x3d: {  	_ =	shalt  }
0x3e: {  	_ =	shalt  }
0x3f: {  	_ =	shalt  }
0x40: {  	_ =	shalt  }
0x41: {  	_ =	shalt  }
0x42: {  	_ =	shalt  }
0x43: {  	_ =	shalt  }
0x44: {  	_ =	shalt  }
0x45: {  	_ =	shalt  }
0x46: {  	_ =	shalt  }
0x47: {  	_ =	shalt  }
0x48: {  	_ =	shalt  }
0x49: {  	_ =	shalt  }
0x4a: {  	_ =	shalt  }
0x4b: {  	_ =	shalt  }
0x4c: {  	_ =	shalt  }
0x4d: {  	_ =	shalt  }
0x4e: {  	_ =	shalt  }
0x4f: {  	_ =	shalt  }
0x50: {  	_ =	shalt  }
0x51: {  	_ =	shalt  }
0x52: {  	_ =	shalt  }
0x53: {  	_ =	shalt  }
0x54: {  	_ =	shalt  }
0x55: {  	_ =	shalt  }
0x56: {  	_ =	shalt  }
0x57: {  	_ =	shalt  }
0x58: {  	_ =	shalt  }
0x59: {  	_ =	shalt  }
0x5a: {  	_ =	shalt  }
0x5b: {  	_ =	shalt  }
0x5c: {  	_ =	shalt  }
0x5d: {  	_ =	shalt  }
0x5e: {  	_ =	shalt  }
0x5f: {  	_ =	shalt  }
0x60: {  	_ =	shalt  }
0x61: {  	_ =	shalt  }
0x62: {  	_ =	shalt  }
0x63: {  	_ =	shalt  }
0x64: {  	_ =	shalt  }
0x65: {  	_ =	shalt  }
0x66: {  	_ =	shalt  }
0x67: {  	_ =	shalt  }
0x68: {  	_ =	shalt  }
0x69: {  	_ =	shalt  }
0x6a: {  	_ =	shalt  }
0x6b: {  	_ =	shalt  }
0x6c: {  	_ =	shalt  }
0x6d: {  	_ =	shalt  }
0x6e: {  	_ =	shalt  }
0x6f: {  	_ =	shalt  }
0x70: {  	_ =	shalt  }
0x71: {  	_ =	shalt  }
0x72: {  	_ =	shalt  }
0x73: {  	_ =	shalt  }
0x74: {  	_ =	shalt  }
0x75: {  	_ =	shalt  }
0x76: {  	_ =	shalt  }
0x77: {  	_ =	shalt  }
0x78: {  	_ =	shalt  }
0x79: {  	_ =	shalt  }
0x7a: {  	_ =	shalt  }
0x7b: {  	_ =	shalt  }
0x7c: {  	_ =	shalt  }
0x7d: {  	_ =	shalt  }
0x7e: {  	_ =	shalt  }
0x7f: {  	_ =	shalt  }
0x80: {  	_ =	shalt  }
0x81: {  	_ =	shalt  }
0x82: {  	_ =	shalt  }
0x83: {  	_ =	shalt  }
0x84: {  	_ =	shalt  }
0x85: {  	_ =	shalt  }
0x86: {  	_ =	shalt  }
0x87: {  	_ =	shalt  }
.Lfunc_end0:
.L_simem_size_0:
called_computation_lowered:
.L_overlay_start_0:
0x88: {  	s0 =	sld [smem:$0x3FD9]  }
0x89: {  	s1 =	sld [smem:$0x3FFE];
	_ =	sdelay $0x3  }
0x8a: {  	s0 =	sadd.s32 s1, s0  }
0x8b: {  	[smem:$0x3FC6] =	sst s0  }
0x8c: {  	_ = 	snop  }
0x8d: {  	s0 =	sld [smem:$0x3FC9]  }
0x8e: {  	s17 =	sld [smem:$0x3FC8]  }
0x8f: {  	s2 =	sld [smem:$0x3FD0];
	(tm) =	ssettm $0x1  }
0x90: {  	s3 =	sld [smem:$0x3FFB];
	_ =	sdelay $0x3  }
0x91: {  	_ =	strace s3  }
0x92: {  	s3 =	sld [smem:$0x3FFC];
	_ =	sdelay $0x3  }
0x93: {  	_ =	strace s3  }
0x94: {  	s3 =	sld [smem:$0x3FFD];
	_ =	sdelay $0x3  }
0x95: {  	_ =	strace s3  }
0x96: {  	_ =	strace $0x8FFFFFFF  }
0x97: {  	s18 =	sld [smem:$0x3FDB];
	_ =	sdelay $0x1  }
0x98: {  	s4 =	simm.s32 $_scs_section_size  }
0x99: {  	s5 =	simm.s32 $_size__tile_overlayer_lowered;
	s6 =	simm.s32 $_tile_overlayer_lowered  }
0x9a: {  	s21 =	simm.s32 $0x1BFF;
	s20 =	sshll.u32 s6, $0x1;
	s3 =	sadd.s32 s4, s18  }
0x9b: {  	s7 =	simm.s32 $0x0;
	s19 =	sshll.u32 s5, $0x1;
	s5 =	sadd.s32 s20, s3  }
0x9c: {  	[timem:s7], [sflag:s21] =	dma.local [hbm:s5], s19  }
0x9d: {  	_ =	swait.ge [sflag:s21], s19  }
0x9e: {  	s4 =	ssub.s32 $0x0, s19;
	[sflag:s21] =	ssyncset.done $0x0  }
0x9f: {  	[sflag:s21] =	ssyncadd.s32 s4;
	_ =	sdelay $0x1  }
0xa0: {  	s22 =	simm.s32 $0x1B8B  }
0xa1: {  	_ =	swait.ge [sflag:s22], $0x1  }
0xa2: {  	[sflag:s22] =	ssyncset.done $0x0  }
0xa3: {  	s23 =	simm.s32 $0x1B8E;
	[sflag:s22] =	ssyncadd.s32 $0xFFFFFFFF  }
0xa4: {  	s24 =	simm.s32 $execute0_lowered;
	[smem:$0x3FD2] =	sst s23  }
0xa5: {  	s4 =	sshll.u32 s24, $0x1;
	_ =	strace $0x80000046;
	[dreg:$0x1] =	wrdreg $0xFFFFFFFF  }
0xa6: {  	s25 =	simm.s32 $_size_execute0_lowered;
	s3 =	sadd.s32 s3, s4;
	[dreg:$0x0] =	wrdreg $0x0  }
0xa7: {  	s4 =	sshll.u32 s25, $0x1;
	[dreg:$0x2] =	wrdreg s3  }
0xa8: {  	[dreg:$0x3] =	wrdreg s4  }
0xa9: {  	[dreg:$0x4] =	wrdreg $0xC0  }
0xaa: {  	_ =	task [dreg:s7], $0x5FFFF  }
0xab: {  	[dreg:$0x1] =	wrdreg $0xFFFFFFFF  }
0xac: {  	[dreg:$0x0] =	wrdreg $0x60  }
0xad: {  	[dreg:$0x2] =	wrdreg s0  }
0xae: {  	[dreg:$0x3] =	wrdreg s17  }
0xaf: {  	[dreg:$0x4] =	wrdreg s2  }
0xb0: {  	[dreg:$0x5] =	wrdreg $0x14C000  }
0xb1: {  	[dreg:$0x6] =	wrdreg $0x9  }
0xb2: {  	_ =	task.clear_ibuf [dreg:s7], $0x7FFFF;
	_ =	strace $0x90000046  }
0xb3: {  	s26 =	simm.s32 $0x9;
	_ =	strace $0x80000048  }
0xb4: {  	_ =	swait.ge [sflag:s26], $0x1  }
0xb5: {  	[sflag:s26] =	ssyncadd.s32 $0xFFFFFFFF  }
0xb6: {  	_ =	strace $0x90000048  }
0xb7: {  	_ =	sfence  }
0xb8: {  	s28 =	sld [smem:$0x0];
	_ =	sdelay $0x1  }
0xb9: {  	s29 =	srdreg.scid  }
0xba: {  	s30 =	sshll.u32 s29, $0xD;
	s31 =	sshrl.u32 s29, $0x2  }
0xbb: {  	s1 =	sand.u32 $0x1, s29;
	s2 =	sand.u32 $0x4000, s30;
	s0 =	sadd.s32 s31, s28  }
0xbc: {  	s1 =	sor.u32 s2, s1;
	s0 =	sshll.u32 s0, $0x11  }
0xbd: {  	s0 =	sor.u32 s0, s1  }
0xbe: {  	s0 =	sadd.s32 $0x8F2B, s0  }
0xbf: {  	[sflag:s0] =	ssyncadd.remote.s32 $0x1  }
0xc0: {  	_ =	sfence.sel $0xFFFF  }
0xc1: {  	[dreg:$0x0] =	wrdreg $0xFFFFFFFF;
	(pc) =	sbr.abs _section_cstart, $3  }
0xc2: {  	[dreg:$0x1] =	wrdreg $0xFFFFFFFF  }
0xc3: {  	_ =	task.clear_ibuf [dreg:s7], $0x2FFFF;
	_ =	strace $0x9FFFFFFF  }
0xc4: {  	(tm) =	ssettm $0x7FFFFFFF  }
0xc5: {  	_ =	shalt  }
tec
execute0_lowered:
.L_overlay_start_1:
0x0: {  	(tag) =	ssettag $0x1  }
0x1: {  	s4 =	rddreg [dreg:$0x0]  }
0x2: {  	s5 =	rddreg [dreg:$0x1]  }
0x3: {  	s6 =	rddreg [dreg:$0x2]  }
0x4: {  	s2 =	rddreg [dreg:$0x3]  }
0x5: {  	s0 =	rddreg [dreg:$0x4];
	s3 =	simm.s32 $0x0  }
0x6: {  	s1 =	stileid.u32;
	s12 =	simm.s32 $0x400;
	s19 =	simm.s32 $0x80  }
0x7: {  	s21 =	simm.s32 $0x4400;
	s23 =	simm.s32 $0x100;
	s25 =	simm.s32 $0x8400  }
0x8: {  	s28 =	simm.s32 $0x180;
	s30 =	simm.s32 $0xC400;
	[smem:$0x7FF] =	sst s3  }
0x9: {  	s7 =	sshll.u32 s1, $0x4;
	s8 =	sshll.u32 s1, $0xB;
	s9 =	sor.u32 $0x10, s1  }
0xa: {  	s11 =	sor.u32 $0x20, s1;
	s20 =	sor.u32 $0x30, s1;
	s26 =	smul.u32 $0x14000, s1  }
0xb: {  	p0 =	sgt.u32 s1, $0xD;
	s31 =	smul.u32 $0xA00, s1;
	_ =	strace $0x80000047  }
0xc: {  	s7 =	sadd.s32 s5, s7;
	s8 =	sadd.s32 s4, s8;
	s10 =	sshll.u32 s9, $0x4  }
0xd: {  	s9 =	sshll.u32 s9, $0xB;
	s16 =	sshll.u32 s11, $0x4;
	s18 =	sshll.u32 s11, $0xB  }
0xe: {  	s22 =	sshll.u32 s20, $0x4;
	p2 =	sne.s32 @p0 s1, $0xF;
	p3 =	por @p0 $0x0, $0x0  }
0xf: {  	[tilespmem:s3], [sflag:$0x1] =	stream.linear.gather [hbm4b:s7+s3], $0x80, $0x38;
	[tilespmem:$0x19C00] =	vst v63  }
0x10: {  	s10 =	sadd.s32 s5, s10;
	s15 =	sadd.s32 s4, s9;
	s17 =	sadd.s32 s5, s16  }
0x11: {  	[tilespmem:s12], [sflag:$0x6] =	stream.linear.gather [hbm4b:s8+s3], $0x4000, $0x38;
	[tilespmem:$0x19C00] =	vst v63  }
0x12: {  	s9 =	sadd.s32 s4, s18;
	s7 =	sadd.s32 s5, s22;
	p1 =	por p2, !p0  }
0x13: {  	[tilespmem:s19], [sflag:$0x2] =	stream.linear.gather [hbm4b:s10+s3], $0x80, $0x38;
	[tilespmem:$0x19C00] =	vst v63  }
0x14: {  	s29 =	sshrl.u32 s26, $0x2;
	p2 =	por !p2, !p0;
	s13 =	simm.s32 @!p1 $0x0  }
0x15: {  	[tilespmem:s21], [sflag:$0x7] =	stream.linear.gather [hbm4b:s15+s3], $0x4000, $0x38;
	[tilespmem:$0x19C00] =	vst v63  }
0x16: {  	s11 =	simm.s32 @!p1 $0x200;
	s14 =	simm.s32 @!p1 $0x10400;
	s10 =	sshll.u32 s20, $0xB  }
0x17: {  	[tilespmem:s23], [sflag:$0x3] =	stream.linear.gather [hbm4b:s17+s3], $0x80, $0x38;
	[tilespmem:$0x19C00] =	vst v63  }
0x18: {  	s12 =	sadd.s32 $0x27000, s4;
	s24 =	sadd.s32 s4, s10;
	s15 =	sor.u32 @!p0 $0x40, s1  }
0x19: {  	[tilespmem:s25], [sflag:$0x8] =	stream.linear.gather [hbm4b:s9+s3], $0x4000, $0x38;
	[tilespmem:$0x19C00] =	vst v63  }
0x1a: {  	s10 =	sadd.s32 $0x4E0, s5;
	s16 =	sshll.u32 @!p0 s15, $0xB;
	s15 =	sshll.u32 @!p0 s15, $0x4  }
0x1b: {  	[tilespmem:s28], [sflag:$0x4] =	stream.linear.gather [hbm4b:s7+s3], $0x80, $0x38;
	[tilespmem:$0x19C00] =	vst v63  }
0x1c: {  	s5 =	sadd.s32 @!p0 s5, s15;
	s15 =	simm.s32 @!p0 $0x0;
	s17 =	simm.s32 @!p0 $0x200  }
0x1d: {  	[tilespmem:s30], [sflag:$0x9] =	stream.linear.gather [hbm4b:s24+s3], $0x4000, $0x38;
	[tilespmem:$0x19C00] =	vst v63  }
0x1e: {  	s4 =	sadd.s32 @!p0 s4, s16;
	s16 =	simm.s32 @!p0 $0x10400;
	s3 =	sadd.s32 s29, s2  }
0x1f: {  	[tilespmem:s11], [sflag:$0x5] =	stream.linear.gather @!p1 [hbm4b:s10+s13], $0x10, $0x38;
	[tilespmem:$0x19C00] =	vst v63  }
0x20: {  	s7 =	sadd.s32 $0x800, s3;
	s8 =	sadd.s32 $0x1000, s3;
	s9 =	sadd.s32 $0x1800, s3  }
0x21: {  	[tilespmem:s14], [sflag:$0xA] =	stream.linear.gather @!p1 [hbm4b:s12+s13], $0x800, $0x38;
	[tilespmem:$0x19C00] =	vst v63  }
0x22: {  	s10 =	sadd.s32 $0x2000, s3;
	s11 =	sadd.s32 $0x2800, s3;
	s12 =	sadd.s32 $0x3000, s3  }
0x23: {  	s13 =	sadd.s32 $0x3800, s3;
	s14 =	sadd.s32 $0x4000, s3;
	p1 =	por @!p1 $0x1, $0x1  }
0x24: {  	[tilespmem:s17], [sflag:$0x5] =	stream.linear.gather @!p0 [hbm4b:s5+s15], $0x80, $0x38;
	[tilespmem:$0x19C00] =	vst v63  }
0x25: {  	p1 =	por @!p2 p3, p3;
	p2 =	por @!p0 $0x0, $0x0;
	s5 =	sadd.s32 $0x4B000, s2  }
0x26: {  	[tilespmem:s16], [sflag:$0xA] =	stream.linear.gather @!p0 [hbm4b:s4+s15], $0x4000, $0x38;
	[tilespmem:$0x19C00] =	vst v63  }
0x27: {  	p1 =	por @!p0 p2, p2;
	s17 =	simm.s32 $0x200;
	s15 =	sadd.s32 $0x4800, s3  }
0x28: {  	v0 =	vimm.f32 $0.0e+00;
	s4 =	sadd.s32 s6, s31;
	s6 =	sadd.s32 $0x9600, s6;
	s16 =	simm.s32 $0x0  }
.LBB2_1:
0x29: {  	p2 =	sne.s32 s17, $0x1E00;
	[tilespmem:s16+$0x14470] =	vst v0  }
0x2a: {  	[tilespmem:s16+$0x14400] =	vst v0  }
0x2b: {  	[tilespmem:s16+$0x14410] =	vst v0  }
.Ltmp0:
0x2c: {  	[tilespmem:s16+$0x14420] =	vst v0;
	(pc) =	sbr.rel @p2 .LBB2_1-.Ltmp0, $4  }
0x2d: {  	[tilespmem:s16+$0x14430] =	vst v0  }
0x2e: {  	[tilespmem:s16+$0x14440] =	vst v0  }
0x2f: {  	[tilespmem:s16+$0x14450] =	vst v0  }
0x30: {  	[tilespmem:s16+$0x14460] =	vst v0;
	s16 =	sshra.s32 s17, $0x2;
	s17 =	sadd.s32 $0x200, s17  }
0x31: {  	[tilespmem:s16+$0x14470] =	vst v0  }
0x32: {  	[tilespmem:s16+$0x14400] =	vst v0  }
0x33: {  	[tilespmem:s16+$0x14410] =	vst v0  }
0x34: {  	[tilespmem:s16+$0x14420] =	vst v0  }
0x35: {  	[tilespmem:s16+$0x14430] =	vst v0  }
0x36: {  	[tilespmem:s16+$0x14440] =	vst v0  }
0x37: {  	[tilespmem:s16+$0x14450] =	vst v0  }
0x38: {  	[tilespmem:s16+$0x14460] =	vst v0;
	s31 =	simm.s32 $0x14400  }
0x39: {  	[spmem:s3] =	stream.linear.scatter [tilespmem:s31], [sflag:$0x10], $0x800, $0x38;
	[tilespmem:$0x19C00] =	vst v63  }
0x3a: {  	_ = 	snop  }
0x3b: {  	[spmem:s7] =	stream.linear.scatter [tilespmem:s31], [sflag:$0x10], $0x800, $0x38;
	[tilespmem:$0x19C00] =	vst v63  }
0x3c: {  	_ = 	snop  }
0x3d: {  	[spmem:s8] =	stream.linear.scatter [tilespmem:s31], [sflag:$0x10], $0x800, $0x38;
	[tilespmem:$0x19C00] =	vst v63  }
0x3e: {  	_ = 	snop  }
0x3f: {  	[spmem:s9] =	stream.linear.scatter [tilespmem:s31], [sflag:$0x10], $0x800, $0x38;
	[tilespmem:$0x19C00] =	vst v63  }
0x40: {  	_ = 	snop  }
0x41: {  	[spmem:s10] =	stream.linear.scatter [tilespmem:s31], [sflag:$0x10], $0x800, $0x38;
	[tilespmem:$0x19C00] =	vst v63  }
0x42: {  	_ = 	snop  }
0x43: {  	[spmem:s11] =	stream.linear.scatter [tilespmem:s31], [sflag:$0x10], $0x800, $0x38;
	[tilespmem:$0x19C00] =	vst v63  }
0x44: {  	_ = 	snop  }
0x45: {  	[spmem:s12] =	stream.linear.scatter [tilespmem:s31], [sflag:$0x10], $0x800, $0x38;
	[tilespmem:$0x19C00] =	vst v63  }
0x46: {  	_ = 	snop  }
0x47: {  	[spmem:s13] =	stream.linear.scatter [tilespmem:s31], [sflag:$0x10], $0x800, $0x38;
	[tilespmem:$0x19C00] =	vst v63  }
0x48: {  	_ = 	snop  }
0x49: {  	[spmem:s14] =	stream.linear.scatter [tilespmem:s31], [sflag:$0x10], $0x800, $0x38;
	[tilespmem:$0x19C00] =	vst v63  }
0x4a: {  	s10 =	simm.s32 $0x10  }
0x4b: {  	[spmem:s15] =	stream.linear.scatter [tilespmem:s31], [sflag:$0x10], $0x800, $0x38;
	[tilespmem:$0x19C00] =	vst v63  }
0x4c: {  	_ =	swait.ge [sflag:s10], $0x800  }
0x4d: {  	[sflag:s10] =	ssyncset.done $0x0  }
0x4e: {  	[sflag:s10] =	ssyncadd.s32 $0xFFFFF800  }
0x4f: {  	_ =	swait.ge [sflag:s10], $0x800  }
0x50: {  	[sflag:s10] =	ssyncset.done $0x0  }
0x51: {  	[sflag:s10] =	ssyncadd.s32 $0xFFFFF800  }
0x52: {  	_ =	swait.ge [sflag:s10], $0x800  }
0x53: {  	[sflag:s10] =	ssyncset.done $0x0  }
0x54: {  	[sflag:s10] =	ssyncadd.s32 $0xFFFFF800  }
0x55: {  	_ =	swait.ge [sflag:s10], $0x800  }
0x56: {  	[sflag:s10] =	ssyncset.done $0x0  }
0x57: {  	[sflag:s10] =	ssyncadd.s32 $0xFFFFF800  }
0x58: {  	_ =	swait.ge [sflag:s10], $0x800  }
0x59: {  	[sflag:s10] =	ssyncset.done $0x0  }
0x5a: {  	[sflag:s10] =	ssyncadd.s32 $0xFFFFF800  }
0x5b: {  	_ =	swait.ge [sflag:s10], $0x800  }
0x5c: {  	[sflag:s10] =	ssyncset.done $0x0  }
0x5d: {  	[sflag:s10] =	ssyncadd.s32 $0xFFFFF800  }
0x5e: {  	_ =	swait.ge [sflag:s10], $0x800  }
0x5f: {  	[sflag:s10] =	ssyncset.done $0x0  }
0x60: {  	[sflag:s10] =	ssyncadd.s32 $0xFFFFF800  }
0x61: {  	_ =	swait.ge [sflag:s10], $0x800  }
0x62: {  	[sflag:s10] =	ssyncset.done $0x0  }
0x63: {  	[sflag:s10] =	ssyncadd.s32 $0xFFFFF800  }
0x64: {  	_ =	swait.ge [sflag:s10], $0x800  }
0x65: {  	[sflag:s10] =	ssyncset.done $0x0  }
0x66: {  	[sflag:s10] =	ssyncadd.s32 $0xFFFFF800  }
0x67: {  	_ =	swait.ge [sflag:s10], $0x800  }
0x68: {  	[sflag:s10] =	ssyncset.done $0x0  }
0x69: {  	[sflag:s10] =	ssyncadd.s32 $0xFFFFF800  }
0x6a: {  	s11 =	simm.s32 $0x1;
	[bflag:$0x0] =	sbarrier.arrive $0xFFFF  }
0x6b: {  	_ =	swait.ge [sflag:s11], $0x80  }
0x6c: {  	[sflag:s11] =	ssyncset.done $0x0  }
0x6d: {  	s12 =	simm.s32 $0x6;
	[sflag:s11] =	ssyncadd.s32 $0xFFFFFF80  }
0x6e: {  	_ =	swait.ge [sflag:s12], $0x4000  }
0x6f: {  	s16 =	simm.s32 $0x2;
	s13 =	simm.s32 $0x80;
	[sflag:s12] =	ssyncset.done $0x0  }
0x70: {  	s14 =	simm.s32 $0x0;
	s15 =	simm.s32 $0x400;
	[sflag:s12] =	ssyncadd.s32 $0xFFFFC000  }
0x71: {  	[spmem:s2] =	stream.indirect.scatter.add.f32 [tilespmem:s15], [sflag:$0xB], $0x80, s14, s13, $0xb8;
	[tilespmem:$0x19C00] =	vst v63  }
0x72: {  	_ =	swait.ge [sflag:s16], $0x80  }
0x73: {  	[sflag:s16] =	ssyncset.done $0x0  }
0x74: {  	s17 =	simm.s32 $0x7;
	[sflag:s16] =	ssyncadd.s32 $0xFFFFFF80  }
0x75: {  	_ =	swait.ge [sflag:s17], $0x4000  }
0x76: {  	[sflag:s17] =	ssyncset.done $0x0  }
0x77: {  	s18 =	simm.s32 $0x4400;
	s19 =	simm.s32 $0x3;
	[sflag:s17] =	ssyncadd.s32 $0xFFFFC000  }
0x78: {  	[spmem:s2] =	stream.indirect.scatter.add.f32 [tilespmem:s18], [sflag:$0xC], $0x80, s13, s13, $0xb8;
	[tilespmem:$0x19C00] =	vst v63  }
0x79: {  	_ =	swait.ge [sflag:s19], $0x80  }
0x7a: {  	[sflag:s19] =	ssyncset.done $0x0  }
0x7b: {  	s20 =	simm.s32 $0x8;
	[sflag:s19] =	ssyncadd.s32 $0xFFFFFF80  }
0x7c: {  	_ =	swait.ge [sflag:s20], $0x4000  }
0x7d: {  	s21 =	simm.s32 $0x100;
	[sflag:s20] =	ssyncset.done $0x0  }
0x7e: {  	s22 =	simm.s32 $0x8400;
	s23 =	simm.s32 $0x4;
	[sflag:s20] =	ssyncadd.s32 $0xFFFFC000  }
0x7f: {  	[spmem:s2] =	stream.indirect.scatter.add.f32 [tilespmem:s22], [sflag:$0xD], $0x80, s21, s13, $0xb8;
	[tilespmem:$0x19C00] =	vst v63  }
0x80: {  	_ =	swait.ge [sflag:s23], $0x80  }
0x81: {  	[sflag:s23] =	ssyncset.done $0x0  }
0x82: {  	s24 =	simm.s32 $0x9;
	[sflag:s23] =	ssyncadd.s32 $0xFFFFFF80  }
0x83: {  	_ =	swait.ge [sflag:s24], $0x4000  }
0x84: {  	s25 =	simm.s32 $0x180;
	[sflag:s24] =	ssyncset.done $0x0  }
0x85: {  	s26 =	simm.s32 $0xC400;
	s7 =	simm.s32 @!p0 $0x5;
	[sflag:s24] =	ssyncadd.s32 $0xFFFFC000  }
0x86: {  	[spmem:s2] =	stream.indirect.scatter.add.f32 [tilespmem:s26], [sflag:$0xE], $0x80, s25, s13, $0xb8;
	[tilespmem:$0x19C00] =	vst v63  }
0x87: {  	_ =	swait.ge @!p0 [sflag:s7], $0x80  }
0x88: {  	[sflag:s7] =	ssyncset.done @!p0 $0x0  }
0x89: {  	[sflag:s7] =	ssyncadd.s32 @!p0 $0xFFFFFF80;
	s7 =	simm.s32 @!p0 $0xA  }
0x8a: {  	_ =	swait.ge @!p0 [sflag:s7], $0x4000  }
0x8b: {  	s8 =	simm.s32 @!p0 $0x200;
	[sflag:s7] =	ssyncset.done @!p0 $0x0  }
0x8c: {  	s9 =	simm.s32 @!p0 $0x10400;
	[sflag:s7] =	ssyncadd.s32 @!p0 $0xFFFFC000;
	s7 =	simm.s32 @!p0 $0x80  }
0x8d: {  	[spmem:s2] =	stream.indirect.scatter.add.f32 @!p0 [tilespmem:s9], [sflag:$0xF], $0x80, s8, s7, $0xb8;
	[tilespmem:$0x19C00] =	vst v63  }
0x8e: {  	s7 =	simm.s32 @p1 $0x5  }
0x8f: {  	_ =	swait.ge @p1 [sflag:s7], $0x10  }
0x90: {  	[sflag:s7] =	ssyncset.done @p1 $0x0  }
0x91: {  	[sflag:s7] =	ssyncadd.s32 @p1 $0xFFFFFFF0;
	s7 =	simm.s32 @p1 $0xA  }
0x92: {  	_ =	swait.ge @p1 [sflag:s7], $0x800  }
0x93: {  	[sflag:s7] =	ssyncset.done @p1 $0x0  }
0x94: {  	v0 =	vimm.s32 @p1 $0x9FF;
	[sflag:s7] =	ssyncadd.s32 @p1 $0xFFFFF800  }
0x95: {  	[tilespmem:$0x210] =	vst @p1 v0  }
0x96: {  	[tilespmem:$0x220] =	vst @p1 v0  }
0x97: {  	[tilespmem:$0x230] =	vst @p1 v0  }
0x98: {  	[tilespmem:$0x240] =	vst @p1 v0  }
0x99: {  	[tilespmem:$0x250] =	vst @p1 v0  }
0x9a: {  	s28 =	simm.s32 $0xB;
	[tilespmem:$0x260] =	vst @p1 v0  }
0x9b: {  	s8 =	simm.s32 @p1 $0x200;
	s9 =	simm.s32 @p1 $0x10400;
	s7 =	simm.s32 @p1 $0x80;
	[tilespmem:$0x270] =	vst @p1 v0  }
0x9c: {  	[spmem:s2] =	stream.indirect.scatter.add.f32 @p1 [tilespmem:s9], [sflag:$0xF], $0x80, s8, s7, $0xb8;
	[tilespmem:$0x19C00] =	vst v63  }
0x9d: {  	_ =	swait.ge [sflag:s28], $0x4000  }
0x9e: {  	[sflag:s28] =	ssyncset.done $0x0  }
0x9f: {  	s29 =	simm.s32 $0xC;
	[sflag:s28] =	ssyncadd.s32 $0xFFFFC000  }
0xa0: {  	_ =	swait.ge [sflag:s29], $0x4000  }
0xa1: {  	[sflag:s29] =	ssyncset.done $0x0  }
0xa2: {  	s30 =	simm.s32 $0xD;
	[sflag:s29] =	ssyncadd.s32 $0xFFFFC000  }
0xa3: {  	_ =	swait.ge [sflag:s30], $0x4000  }
0xa4: {  	[sflag:s30] =	ssyncset.done $0x0  }
0xa5: {  	p2 =	por !p1, !p1;
	s31 =	simm.s32 $0xE;
	[sflag:s30] =	ssyncadd.s32 $0xFFFFC000  }
0xa6: {  	p6 =	por !p0, !p2;
	_ =	swait.ge [sflag:s31], $0x4000  }
0xa7: {  	p0 =	por !p6, !p6;
	[sflag:s31] =	ssyncset.done $0x0  }
0xa8: {  	s2 =	simm.s32 @!p0 $0xF;
	[sflag:s31] =	ssyncadd.s32 $0xFFFFC000  }
0xa9: {  	_ =	swait.ge @!p0 [sflag:s2], $0x4000  }
0xaa: {  	[sflag:s2] =	ssyncset.done @!p0 $0x0  }
0xab: {  	[sflag:s2] =	ssyncadd.s32 @!p0 $0xFFFFC000;
	s2 =	sshll.u32 @p1 s1, $0x6  }
0xac: {  	s5 =	sshrl.u32 @p1 s5, $0x3;
	[bflag:$0x0] =	sbarrier.arrive $0xFFFF;
	s2 =	sor.u32 @p1 $0x1C11, s2  }
0xad: {  	[hbm:s6], [sflag:s2] =	dma.local @p1 [spmem:s5], $0x640  }
0xae: {  	s2 =	simm.s32 @p1 $0x11  }
0xaf: {  	_ =	swait.ge @p1 [sflag:s2], $0x640  }
0xb0: {  	s5 =	sshll.u32 @!p1 s1, $0x6;
	[sflag:s2] =	ssyncset.done @p1 $0x0  }
0xb1: {  	s3 =	sshrl.u32 @!p1 s3, $0x3;
	[sflag:s2] =	ssyncadd.s32 @p1 $0xFFFFF9C0;
	s2 =	sor.u32 @!p1 $0x1C11, s5  }
0xb2: {  	[hbm:s4], [sflag:s2] =	dma.local @!p1 [spmem:s3], $0xA00  }
0xb3: {  	s2 =	simm.s32 @!p1 $0x11  }
0xb4: {  	_ =	swait.ge @!p1 [sflag:s2], $0xA00  }
0xb5: {  	[sflag:s2] =	ssyncset.done @!p1 $0x0  }
0xb6: {  	[sflag:s2] =	ssyncadd.s32 @!p1 $0xFFFFF600  }
0xb7: {  	_ =	sfence.sel $0x180000  }
0xb8: {  	[bflag:$0x0] =	sbarrier.arrive $0xFFFF  }
0xb9: {  	p0 =	sne.s32 s1, $0x0;
	_ =	strace $0x90000047  }
0xba: {  	s0 =	sadd.s32 @!p0 $0x100000, s0;
	[bflag:$0x2] =	sbarrier.arrive $0xFFFF  }
0xbb: {  	[sflag:s0] =	ssyncadd.tile.s32 @!p0 $0x1;
	_ =	shalt  }
.Lfunc_end2:
_tile_overlayer_lowered:
.L_overlay_start_2:
0xbc: {  	(tag) =	ssettag $0x2  }
0xbd: {  	s0 =	rddreg [dreg:$0x0];
	s2 =	stileid.u32  }
0xbe: {  	s1 =	rddreg [dreg:$0x1];
	p0 =	sne.s32 s2, $0x0  }
0xbf: {  	s3 =	rddreg [dreg:$0x2];
	[bflag:$0x3] =	sbarrier.arrive $0xFFFF;
	s2 =	simm.s32 @!p0 $0x1C11  }
0xc0: {  	[timem:s3], [sflag:s2] =	dma.local @!p0 [hbm:s0], s1  }
0xc1: {  	s0 =	simm.s32 @!p0 $0x11  }
0xc2: {  	_ =	swait.ge @!p0 [sflag:s0], s1  }
0xc3: {  	s1 =	ssub.s32 @!p0 $0x0, s1;
	[sflag:s0] =	ssyncset.done @!p0 $0x0  }
0xc4: {  	[sflag:s0] =	ssyncadd.s32 @!p0 s1  }
0xc5: {  	[bflag:$0x3] =	sbarrier.arrive $0xFFFF  }
0xc6: {  	_ =	shalt  }

</sc_bundles>
